<compile_context>
chip_gen: v7x
topology: tpu7x:2x2x1
jax: 0.10.2.dev20260603
libtpu: 0.0.44.dev20260713+nightly
codegen_flags: <defaults>
</compile_context>

<pallas_src>
import functools

import jax
import jax.numpy as jnp
from jax import lax
from jax.experimental import pallas as pl
from jax.experimental.pallas import tpu as pltpu
from jax.experimental.pallas import tpu_sc as plsc

_N = 10000
_E = 320000
_D = 128
_H = 64
_C = 64

_NCORES = 2
_NSUB = 16
_NTILES = _NCORES * _NSUB
_CHUNK = 1000
_CPT0 = 10
_CPT1 = 10
_EPT0 = _CPT0 * _CHUNK
_EPT1 = _CPT1 * _CHUNK
_OFF1 = _NSUB * _EPT0
_ACC_ROWS = 10112
_ZROWS = _ACC_ROWS // _NSUB

_sc_mesh = plsc.VectorSubcoreMesh(core_axis_name="c", subcore_axis_name="s")


@functools.partial(
    pl.kernel,
    out_type=jax.ShapeDtypeStruct((_NCORES, _ACC_ROWS, _H), jnp.float32),
    mesh=_sc_mesh,
    scratch_types=[
        pltpu.VMEM((_EPT0,), jnp.int32),
        pltpu.VMEM((_EPT0,), jnp.int32),
        pltpu.VMEM((_CHUNK, _H), jnp.float32),
        pltpu.VMEM_SHARED((_ACC_ROWS, _H), jnp.float32),
    ],
    compiler_params=pltpu.CompilerParams(use_tc_tiling_on_sc=False),
)
def _sc_agg(y_hbm, edge_hbm, zero_hbm, out_hbm, src_v, dst_v, rows0, acc):
    c = lax.axis_index("c")
    s = lax.axis_index("s")
    pltpu.sync_copy(zero_hbm.at[pl.ds(s * _ZROWS, _ZROWS)],
                    acc.at[pl.ds(s * _ZROWS, _ZROWS)])

    @pl.when(c == 0)
    def _():
        off = s * _EPT0
        pltpu.sync_copy(edge_hbm.at[0, pl.ds(off, _EPT0)], src_v)
        pltpu.sync_copy(edge_hbm.at[1, pl.ds(off, _EPT0)], dst_v)

    @pl.when(c == 1)
    def _():
        off = _OFF1 + s * _EPT1
        pltpu.sync_copy(edge_hbm.at[0, pl.ds(off, _EPT1)],
                        src_v.at[pl.ds(0, _EPT1)])
        pltpu.sync_copy(edge_hbm.at[1, pl.ds(off, _EPT1)],
                        dst_v.at[pl.ds(0, _EPT1)])

    plsc.subcore_barrier()

    def body(j, carry):
        e = j * _CHUNK
        pltpu.sync_copy(y_hbm.at[src_v.at[pl.ds(e, _CHUNK)]], rows0)
        pltpu.sync_copy(rows0, acc.at[dst_v.at[pl.ds(e, _CHUNK)]], add=True)
        return carry

    n_chunks = lax.select(c == 0, _CPT0, _CPT1)
    lax.fori_loop(0, n_chunks, body, 0)
    plsc.subcore_barrier()
    pltpu.sync_copy(acc.at[pl.ds(s * _ZROWS, _ZROWS)],
                    out_hbm.at[c, pl.ds(s * _ZROWS, _ZROWS)])


_BN = 10000


def _mm_body(x_ref, w_ref, o_ref):
    o_ref[...] = jnp.dot(x_ref[...], w_ref[...],
                         preferred_element_type=jnp.float32)


def _mm(x, w):
    n, d = x.shape
    h = w.shape[1]
    return pl.pallas_call(
        _mm_body,
        grid=(n // _BN,),
        in_specs=[
            pl.BlockSpec((_BN, d), lambda i: (i, 0)),
            pl.BlockSpec((d, h), lambda i: (0, 0)),
        ],
        out_specs=pl.BlockSpec((_BN, h), lambda i: (i, 0)),
        out_shape=jax.ShapeDtypeStruct((n, h), jnp.float32),
    )(x, w)


def _stage_b_body(y_ref, p0_ref, p1_ref, b0_ref, w1_ref, b1_ref, w2_ref, o_ref):
    h = jnp.maximum(y_ref[...] + p0_ref[0] + p1_ref[0] + b0_ref[...], 0.0)
    t = jnp.dot(h, w1_ref[...], preferred_element_type=jnp.float32) + b1_ref[...]
    t = jnp.maximum(t, 0.0)
    o_ref[...] = jnp.dot(t, w2_ref[...], preferred_element_type=jnp.float32)


def _stage_b(y1, p, b1_0, w1_1, b1_1, w2_0):
    row = lambda i: (i, 0)
    fixed = lambda i: (0, 0)
    return pl.pallas_call(
        _stage_b_body,
        grid=(_N // _BN,),
        in_specs=[
            pl.BlockSpec((_BN, _H), row),
            pl.BlockSpec((1, _BN, _H), lambda i: (0, i, 0)),
            pl.BlockSpec((1, _BN, _H), lambda i: (1, i, 0)),
            pl.BlockSpec((1, _H), fixed),
            pl.BlockSpec((_H, _H), fixed),
            pl.BlockSpec((1, _H), fixed),
            pl.BlockSpec((_H, _H), fixed),
        ],
        out_specs=pl.BlockSpec((_BN, _H), row),
        out_shape=jax.ShapeDtypeStruct((_N, _H), jnp.float32),
    )(y1, p, p, b1_0.reshape(1, _H), w1_1, b1_1.reshape(1, _H), w2_0)


def _stage_c_body(y_ref, p0_ref, p1_ref, b0_ref, w1_ref, b1_ref, wf_ref,
                  bf_ref, o_ref):
    h = jnp.maximum(y_ref[...] + p0_ref[0] + p1_ref[0] + b0_ref[...], 0.0)
    t = jnp.dot(h, w1_ref[...], preferred_element_type=jnp.float32) + b1_ref[...]
    logits = jnp.dot(t, wf_ref[...], preferred_element_type=jnp.float32) + bf_ref[...]
    m = jnp.max(logits, axis=1, keepdims=True)
    lse = jnp.log(jnp.sum(jnp.exp(logits - m), axis=1, keepdims=True)) + m
    o_ref[...] = logits - lse


def _stage_c(y2, q, b2_0, w2_1, b2_1, wfc, bfc):
    row = lambda i: (i, 0)
    fixed = lambda i: (0, 0)
    return pl.pallas_call(
        _stage_c_body,
        grid=(_N // _BN,),
        in_specs=[
            pl.BlockSpec((_BN, _H), row),
            pl.BlockSpec((1, _BN, _H), lambda i: (0, i, 0)),
            pl.BlockSpec((1, _BN, _H), lambda i: (1, i, 0)),
            pl.BlockSpec((1, _H), fixed),
            pl.BlockSpec((_H, _H), fixed),
            pl.BlockSpec((1, _H), fixed),
            pl.BlockSpec((_H, _C), fixed),
            pl.BlockSpec((1, _C), fixed),
        ],
        out_specs=pl.BlockSpec((_BN, _C), row),
        out_shape=jax.ShapeDtypeStruct((_N, _C), jnp.float32),
    )(y2, q, q, b2_0.reshape(1, _H), w2_1, b2_1.reshape(1, _H), wfc,
      bfc.reshape(1, _C))


def kernel(x, edge_index, w1_0, b1_0, w1_1, b1_1, w2_0, b2_0, w2_1, b2_1,
           wfc, bfc):
    zeros = jnp.zeros((_ACC_ROWS, _H), jnp.float32)

    y1 = _mm(x, w1_0)
    p = _sc_agg(y1, edge_index, zeros)
    y2 = _stage_b(y1, p, b1_0, w1_1, b1_1, w2_0)
    q = _sc_agg(y2, edge_index, zeros)
    return _stage_c(y2, q, b2_0, w2_1, b2_1, wfc, bfc)

# --- scband reference (transcript-rebuilt; emitter-appended) ---
"""Pipeline reference for scband-gin-7507602834021 (READ-ONLY COPY).

The authoritative reference and input builder live on the scoring server;
editing this copy changes nothing except your own understanding.
"""

import jax, jax.numpy as jnp
import numpy as np

N = 10000
E = 320000
D = 128
H = 64
C = 64

def setup_inputs(seed: int = 0) -> dict:
    key = jax.random.key(seed)
    ks = jax.random.split(key, 12)
    x = jax.random.normal(ks[0], (N, D), dtype=jnp.float32)
    edge_index = jax.random.randint(ks[1], (2, E), 0, N, dtype=jnp.int32)
    w1_0 = jax.random.normal(ks[2], (D, H), dtype=jnp.float32) * 0.05
    b1_0 = jnp.zeros((H,), dtype=jnp.float32)
    w1_1 = jax.random.normal(ks[3], (H, H), dtype=jnp.float32) * 0.05
    b1_1 = jnp.zeros((H,), dtype=jnp.float32)
    w2_0 = jax.random.normal(ks[4], (H, H), dtype=jnp.float32) * 0.05
    b2_0 = jnp.zeros((H,), dtype=jnp.float32)
    w2_1 = jax.random.normal(ks[5], (H, H), dtype=jnp.float32) * 0.05
    b2_1 = jnp.zeros((H,), dtype=jnp.float32)
    wfc = jax.random.normal(ks[6], (H, C), dtype=jnp.float32) * 0.05
    bfc = jnp.zeros((C,), dtype=jnp.float32)
    return {"x": x, "edge_index": edge_index, "w1_0": w1_0, "b1_0": b1_0, "w1_1": w1_1, "b1_1": b1_1, "w2_0": w2_0, "b2_0": b2_0, "w2_1": w2_1, "b2_1": b2_1, "wfc": wfc, "bfc": bfc}

def _gin_conv(x, edge_index, wA, bA, wB, bB):
    # GINConv with eps=0 (PyG default, train_eps=False):
    # out = nn((1+eps)*x + sum_{j->i} x_j)
    src = edge_index[0]
    dst = edge_index[1]
    msgs = jnp.take(x, src, axis=0)
    agg = jax.ops.segment_sum(msgs, dst, num_segments=N)
    h = x + agg
    h = jnp.maximum(h @ wA + bA, 0.0)
    h = h @ wB + bB
    return h

def reference(x, edge_index, w1_0, b1_0, w1_1, b1_1, w2_0, b2_0, w2_1, b2_1, wfc, bfc):
    h = _gin_conv(x, edge_index, w1_0, b1_0, w1_1, b1_1)
    h = jnp.maximum(h, 0.0)
    h = _gin_conv(h, edge_index, w2_0, b2_0, w2_1, b2_1)
    logits = h @ wfc + bfc
    return jax.nn.log_softmax(logits, axis=1)

if __name__ == "__main__":
    import jax
    _d = setup_inputs()
    print(jax.jit(kernel)(*tuple(_d.values())))

</pallas_src>

<mosaic_0001>
#map = affine_map<(d0, d1) -> (0, 0)>
#map1 = affine_map<(d0, d1) -> (0, 0, 0)>
module attributes {stable_mosaic.version = 14 : i64} {
  func.func @_sc_agg(%arg0: i32, %arg1: i32, %arg2: memref<10000x64xf32, #tpu.memory_space<hbm>>, %arg3: memref<2x320000xi32, #tpu.memory_space<hbm>>, %arg4: memref<10112x64xf32, #tpu.memory_space<hbm>>, %arg5: memref<2x10112x64xf32, #tpu.memory_space<hbm>>, %arg6: memref<10000xi32, #tpu.memory_space<vmem>>, %arg7: memref<10000xi32, #tpu.memory_space<vmem>>, %arg8: memref<1000x64xf32, #tpu.memory_space<vmem>>, %arg9: memref<10112x64xf32, #tpu.memory_space<vmem_shared>>) attributes {dimension_semantics = [#tpu.dimension_semantics<core_parallel>, #tpu.dimension_semantics<subcore_parallel>], iteration_bounds = array<i64: 2, 16>, scalar_prefetch = 0 : i64, scratch_operands = 4 : i64, tpu.core_type = #tpu.core_type<sc_vector_subcore>, window_params = [{transform_indices = #map}, {transform_indices = #map}, {transform_indices = #map}, {transform_indices = #map1}]} {
    %mul3A = arith.constant 632 : i32
    %mul3A_0 = arith.muli %arg1, %mul3A : i32
    %mul3A_1 = arith.constant 632 : i32
    %mul3A_2 = arith.muli %arg1, %mul3A_1 : i32
    "tpu.region"() ({
      %run_scoped3A = tpu.sem_alloc : memref<!tpu.dma_semaphore, #tpu.memory_space<semaphore_mem>>
      %dma_start3A = arith.constant 0 : i32
      %dma_start3A_28 = tpu.memref_slice %arg9[%mul3A_2, %dma_start3A] : memref<10112x64xf32, #tpu.memory_space<vmem_shared>> -> memref<632x64xf32, #tpu.memory_space<vmem_shared>>
      %dma_start3A_29 = arith.constant 0 : i32
      %dma_start3A_30 = tpu.memref_slice %arg4[%mul3A_0, %dma_start3A_29] : memref<10112x64xf32, #tpu.memory_space<hbm>> -> memref<632x64xf32, #tpu.memory_space<hbm>>
      tpu.enqueue_dma source(%dma_start3A_30 : memref<632x64xf32, #tpu.memory_space<hbm>>) target(%dma_start3A_28 : memref<632x64xf32, #tpu.memory_space<vmem_shared>>) target_semaphore(%run_scoped3A : memref<!tpu.dma_semaphore, #tpu.memory_space<semaphore_mem>>)
      %dma_wait3A = arith.constant 0 : i32
      %dma_wait3A_31 = tpu.memref_slice %arg9[%mul3A_2, %dma_wait3A] : memref<10112x64xf32, #tpu.memory_space<vmem_shared>> -> memref<632x64xf32, #tpu.memory_space<vmem_shared>>
      %dma_wait3A_32 = arith.constant 0 : i32
      %dma_wait3A_33 = tpu.memref_slice %arg4[%mul3A_0, %dma_wait3A_32] : memref<10112x64xf32, #tpu.memory_space<hbm>> -> memref<632x64xf32, #tpu.memory_space<hbm>>
      tpu.wait_dma2 semaphore(%run_scoped3A : memref<!tpu.dma_semaphore, #tpu.memory_space<semaphore_mem>>) src(%dma_wait3A_33 : memref<632x64xf32, #tpu.memory_space<hbm>>) dst(%dma_wait3A_31 : memref<632x64xf32, #tpu.memory_space<vmem_shared>>)
      tpu.yield
    }) : () -> ()
    %eq3A = arith.constant 0 : i32
    %eq3A_3 = arith.cmpi eq, %arg0, %eq3A : i32
    %convert_element_type3A = arith.extui %eq3A_3 : i1 to i32
    %cond3A = arith.constant 0 : i32
    %cond3A_4 = arith.cmpi ne, %convert_element_type3A, %cond3A : i32
    scf.if %cond3A_4 {
      %mul3A_28 = arith.constant 10000 : i32
      %mul3A_29 = arith.muli %arg1, %mul3A_28 : i32
      %run_scoped3A = arith.constant 0 : i32
      "tpu.region"() ({
        %run_scoped3A_31 = tpu.sem_alloc : memref<!tpu.dma_semaphore, #tpu.memory_space<semaphore_mem>>
        %dma_start3A = tpu.memref_slice %arg3[%run_scoped3A, %mul3A_29] : memref<2x320000xi32, #tpu.memory_space<hbm>> -> memref<1x10000xi32, #tpu.memory_space<hbm>>
        %dma_start3A_32 = tpu.memref_squeeze %dma_start3A : memref<1x10000xi32, #tpu.memory_space<hbm>> -> memref<10000xi32, #tpu.memory_space<hbm>>
        %dma_start3A_33 = tpu.memref_slice %arg3[%run_scoped3A, %mul3A_29] : memref<2x320000xi32, #tpu.memory_space<hbm>> -> memref<1x10000xi32, #tpu.memory_space<hbm>>
        %dma_start3A_34 = tpu.memref_squeeze %dma_start3A_33 : memref<1x10000xi32, #tpu.memory_space<hbm>> -> memref<10000xi32, #tpu.memory_space<hbm>>
        tpu.enqueue_dma source(%dma_start3A_34 : memref<10000xi32, #tpu.memory_space<hbm>>) target(%arg6 : memref<10000xi32, #tpu.memory_space<vmem>>) target_semaphore(%run_scoped3A_31 : memref<!tpu.dma_semaphore, #tpu.memory_space<semaphore_mem>>)
        %dma_wait3A = tpu.memref_slice %arg3[%run_scoped3A, %mul3A_29] : memref<2x320000xi32, #tpu.memory_space<hbm>> -> memref<1x10000xi32, #tpu.memory_space<hbm>>
        %dma_wait3A_35 = tpu.memref_squeeze %dma_wait3A : memref<1x10000xi32, #tpu.memory_space<hbm>> -> memref<10000xi32, #tpu.memory_space<hbm>>
        %dma_wait3A_36 = tpu.memref_slice %arg3[%run_scoped3A, %mul3A_29] : memref<2x320000xi32, #tpu.memory_space<hbm>> -> memref<1x10000xi32, #tpu.memory_space<hbm>>
        %dma_wait3A_37 = tpu.memref_squeeze %dma_wait3A_36 : memref<1x10000xi32, #tpu.memory_space<hbm>> -> memref<10000xi32, #tpu.memory_space<hbm>>
        tpu.wait_dma2 semaphore(%run_scoped3A_31 : memref<!tpu.dma_semaphore, #tpu.memory_space<semaphore_mem>>) src(%dma_wait3A_37 : memref<10000xi32, #tpu.memory_space<hbm>>) dst(%arg6 : memref<10000xi32, #tpu.memory_space<vmem>>)
        tpu.yield
      }) : () -> ()
      %run_scoped3A_30 = arith.constant 1 : i32
      "tpu.region"() ({
        %run_scoped3A_31 = tpu.sem_alloc : memref<!tpu.dma_semaphore, #tpu.memory_space<semaphore_mem>>
        %dma_start3A = tpu.memref_slice %arg3[%run_scoped3A_30, %mul3A_29] : memref<2x320000xi32, #tpu.memory_space<hbm>> -> memref<1x10000xi32, #tpu.memory_space<hbm>>
        %dma_start3A_32 = tpu.memref_squeeze %dma_start3A : memref<1x10000xi32, #tpu.memory_space<hbm>> -> memref<10000xi32, #tpu.memory_space<hbm>>
        %dma_start3A_33 = tpu.memref_slice %arg3[%run_scoped3A_30, %mul3A_29] : memref<2x320000xi32, #tpu.memory_space<hbm>> -> memref<1x10000xi32, #tpu.memory_space<hbm>>
        %dma_start3A_34 = tpu.memref_squeeze %dma_start3A_33 : memref<1x10000xi32, #tpu.memory_space<hbm>> -> memref<10000xi32, #tpu.memory_space<hbm>>
        tpu.enqueue_dma source(%dma_start3A_34 : memref<10000xi32, #tpu.memory_space<hbm>>) target(%arg7 : memref<10000xi32, #tpu.memory_space<vmem>>) target_semaphore(%run_scoped3A_31 : memref<!tpu.dma_semaphore, #tpu.memory_space<semaphore_mem>>)
        %dma_wait3A = tpu.memref_slice %arg3[%run_scoped3A_30, %mul3A_29] : memref<2x320000xi32, #tpu.memory_space<hbm>> -> memref<1x10000xi32, #tpu.memory_space<hbm>>
        %dma_wait3A_35 = tpu.memref_squeeze %dma_wait3A : memref<1x10000xi32, #tpu.memory_space<hbm>> -> memref<10000xi32, #tpu.memory_space<hbm>>
        %dma_wait3A_36 = tpu.memref_slice %arg3[%run_scoped3A_30, %mul3A_29] : memref<2x320000xi32, #tpu.memory_space<hbm>> -> memref<1x10000xi32, #tpu.memory_space<hbm>>
        %dma_wait3A_37 = tpu.memref_squeeze %dma_wait3A_36 : memref<1x10000xi32, #tpu.memory_space<hbm>> -> memref<10000xi32, #tpu.memory_space<hbm>>
        tpu.wait_dma2 semaphore(%run_scoped3A_31 : memref<!tpu.dma_semaphore, #tpu.memory_space<semaphore_mem>>) src(%dma_wait3A_37 : memref<10000xi32, #tpu.memory_space<hbm>>) dst(%arg7 : memref<10000xi32, #tpu.memory_space<vmem>>)
        tpu.yield
      }) : () -> ()
    } else {
    }
    %eq3A_5 = arith.constant 1 : i32
    %eq3A_6 = arith.cmpi eq, %arg0, %eq3A_5 : i32
    %convert_element_type3A_7 = arith.extui %eq3A_6 : i1 to i32
    %cond3A_8 = arith.constant 0 : i32
    %cond3A_9 = arith.cmpi ne, %convert_element_type3A_7, %cond3A_8 : i32
    scf.if %cond3A_9 {
      %mul3A_28 = arith.constant 10000 : i32
      %mul3A_29 = arith.muli %arg1, %mul3A_28 : i32
      %add3A = arith.constant 160000 : i32
      %add3A_30 = arith.addi %add3A, %mul3A_29 : i32
      %run_scoped3A = arith.constant 0 : i32
      "tpu.region"() ({
        %run_scoped3A_32 = tpu.sem_alloc : memref<!tpu.dma_semaphore, #tpu.memory_space<semaphore_mem>>
        %dma_start3A = arith.constant 0 : i32
        %dma_start3A_33 = tpu.memref_slice %arg6[%dma_start3A] : memref<10000xi32, #tpu.memory_space<vmem>> -> memref<10000xi32, #tpu.memory_space<vmem>>
        %dma_start3A_34 = tpu.memref_slice %arg3[%run_scoped3A, %add3A_30] : memref<2x320000xi32, #tpu.memory_space<hbm>> -> memref<1x10000xi32, #tpu.memory_space<hbm>>
        %dma_start3A_35 = tpu.memref_squeeze %dma_start3A_34 : memref<1x10000xi32, #tpu.memory_space<hbm>> -> memref<10000xi32, #tpu.memory_space<hbm>>
        %dma_start3A_36 = arith.constant 0 : i32
        %dma_start3A_37 = tpu.memref_slice %arg6[%dma_start3A_36] : memref<10000xi32, #tpu.memory_space<vmem>> -> memref<10000xi32, #tpu.memory_space<vmem>>
        %dma_start3A_38 = tpu.memref_slice %arg3[%run_scoped3A, %add3A_30] : memref<2x320000xi32, #tpu.memory_space<hbm>> -> memref<1x10000xi32, #tpu.memory_space<hbm>>
        %dma_start3A_39 = tpu.memref_squeeze %dma_start3A_38 : memref<1x10000xi32, #tpu.memory_space<hbm>> -> memref<10000xi32, #tpu.memory_space<hbm>>
        tpu.enqueue_dma source(%dma_start3A_39 : memref<10000xi32, #tpu.memory_space<hbm>>) target(%dma_start3A_37 : memref<10000xi32, #tpu.memory_space<vmem>>) target_semaphore(%run_scoped3A_32 : memref<!tpu.dma_semaphore, #tpu.memory_space<semaphore_mem>>)
        %dma_wait3A = arith.constant 0 : i32
        %dma_wait3A_40 = tpu.memref_slice %arg6[%dma_wait3A] : memref<10000xi32, #tpu.memory_space<vmem>> -> memref<10000xi32, #tpu.memory_space<vmem>>
        %dma_wait3A_41 = tpu.memref_slice %arg3[%run_scoped3A, %add3A_30] : memref<2x320000xi32, #tpu.memory_space<hbm>> -> memref<1x10000xi32, #tpu.memory_space<hbm>>
        %dma_wait3A_42 = tpu.memref_squeeze %dma_wait3A_41 : memref<1x10000xi32, #tpu.memory_space<hbm>> -> memref<10000xi32, #tpu.memory_space<hbm>>
        %dma_wait3A_43 = arith.constant 0 : i32
        %dma_wait3A_44 = tpu.memref_slice %arg6[%dma_wait3A_43] : memref<10000xi32, #tpu.memory_space<vmem>> -> memref<10000xi32, #tpu.memory_space<vmem>>
        %dma_wait3A_45 = tpu.memref_slice %arg3[%run_scoped3A, %add3A_30] : memref<2x320000xi32, #tpu.memory_space<hbm>> -> memref<1x10000xi32, #tpu.memory_space<hbm>>
        %dma_wait3A_46 = tpu.memref_squeeze %dma_wait3A_45 : memref<1x10000xi32, #tpu.memory_space<hbm>> -> memref<10000xi32, #tpu.memory_space<hbm>>
        tpu.wait_dma2 semaphore(%run_scoped3A_32 : memref<!tpu.dma_semaphore, #tpu.memory_space<semaphore_mem>>) src(%dma_wait3A_46 : memref<10000xi32, #tpu.memory_space<hbm>>) dst(%dma_wait3A_44 : memref<10000xi32, #tpu.memory_space<vmem>>)
        tpu.yield
      }) : () -> ()
      %run_scoped3A_31 = arith.constant 1 : i32
      "tpu.region"() ({
        %run_scoped3A_32 = tpu.sem_alloc : memref<!tpu.dma_semaphore, #tpu.memory_space<semaphore_mem>>
        %dma_start3A = arith.constant 0 : i32
        %dma_start3A_33 = tpu.memref_slice %arg7[%dma_start3A] : memref<10000xi32, #tpu.memory_space<vmem>> -> memref<10000xi32, #tpu.memory_space<vmem>>
        %dma_start3A_34 = tpu.memref_slice %arg3[%run_scoped3A_31, %add3A_30] : memref<2x320000xi32, #tpu.memory_space<hbm>> -> memref<1x10000xi32, #tpu.memory_space<hbm>>
        %dma_start3A_35 = tpu.memref_squeeze %dma_start3A_34 : memref<1x10000xi32, #tpu.memory_space<hbm>> -> memref<10000xi32, #tpu.memory_space<hbm>>
        %dma_start3A_36 = arith.constant 0 : i32
        %dma_start3A_37 = tpu.memref_slice %arg7[%dma_start3A_36] : memref<10000xi32, #tpu.memory_space<vmem>> -> memref<10000xi32, #tpu.memory_space<vmem>>
        %dma_start3A_38 = tpu.memref_slice %arg3[%run_scoped3A_31, %add3A_30] : memref<2x320000xi32, #tpu.memory_space<hbm>> -> memref<1x10000xi32, #tpu.memory_space<hbm>>
        %dma_start3A_39 = tpu.memref_squeeze %dma_start3A_38 : memref<1x10000xi32, #tpu.memory_space<hbm>> -> memref<10000xi32, #tpu.memory_space<hbm>>
        tpu.enqueue_dma source(%dma_start3A_39 : memref<10000xi32, #tpu.memory_space<hbm>>) target(%dma_start3A_37 : memref<10000xi32, #tpu.memory_space<vmem>>) target_semaphore(%run_scoped3A_32 : memref<!tpu.dma_semaphore, #tpu.memory_space<semaphore_mem>>)
        %dma_wait3A = arith.constant 0 : i32
        %dma_wait3A_40 = tpu.memref_slice %arg7[%dma_wait3A] : memref<10000xi32, #tpu.memory_space<vmem>> -> memref<10000xi32, #tpu.memory_space<vmem>>
        %dma_wait3A_41 = tpu.memref_slice %arg3[%run_scoped3A_31, %add3A_30] : memref<2x320000xi32, #tpu.memory_space<hbm>> -> memref<1x10000xi32, #tpu.memory_space<hbm>>
        %dma_wait3A_42 = tpu.memref_squeeze %dma_wait3A_41 : memref<1x10000xi32, #tpu.memory_space<hbm>> -> memref<10000xi32, #tpu.memory_space<hbm>>
        %dma_wait3A_43 = arith.constant 0 : i32
        %dma_wait3A_44 = tpu.memref_slice %arg7[%dma_wait3A_43] : memref<10000xi32, #tpu.memory_space<vmem>> -> memref<10000xi32, #tpu.memory_space<vmem>>
        %dma_wait3A_45 = tpu.memref_slice %arg3[%run_scoped3A_31, %add3A_30] : memref<2x320000xi32, #tpu.memory_space<hbm>> -> memref<1x10000xi32, #tpu.memory_space<hbm>>
        %dma_wait3A_46 = tpu.memref_squeeze %dma_wait3A_45 : memref<1x10000xi32, #tpu.memory_space<hbm>> -> memref<10000xi32, #tpu.memory_space<hbm>>
        tpu.wait_dma2 semaphore(%run_scoped3A_32 : memref<!tpu.dma_semaphore, #tpu.memory_space<semaphore_mem>>) src(%dma_wait3A_46 : memref<10000xi32, #tpu.memory_space<hbm>>) dst(%dma_wait3A_44 : memref<10000xi32, #tpu.memory_space<vmem>>)
        tpu.yield
      }) : () -> ()
    } else {
    }
    %barrier3A = arith.constant 0 : index
    tpu.barrier barrier_id(%barrier3A)
    %eq3A_10 = arith.constant 0 : i32
    %eq3A_11 = arith.cmpi eq, %arg0, %eq3A_10 : i32
    %select_n3A = arith.constant 10 : i32
    %select_n3A_12 = arith.constant 10 : i32
    %select_n3A_13 = arith.select %eq3A_11, %select_n3A_12, %select_n3A : i32
    %while3A = arith.constant 0 : i32
    %while3A_14 = arith.constant 0 : i32
    %while3A_15 = arith.subi %select_n3A_13, %while3A_14 : i32
    %while3A_16 = arith.addi %while3A_14, %while3A_15 : i32
    %while3A_17 = arith.constant 1 : i32
    %while3A_18 = arith.divsi %while3A_15, %while3A_17 : i32
    %while3A_19 = arith.muli %while3A_18, %while3A_17 : i32
    %while3A_20 = arith.addi %while3A_14, %while3A_19 : i32
    %while3A_21 = arith.constant 1 : i32
    scf.for %while3A_28 = %while3A_14 to %while3A_20 step %while3A_21  : i32 {
      %mul3A_29 = arith.constant 1000 : i32
      %mul3A_30 = arith.muli %while3A_28, %mul3A_29 : i32
      "tpu.region"() ({
        %run_scoped3A = tpu.sem_alloc : memref<!tpu.dma_semaphore, #tpu.memory_space<semaphore_mem>>
        %dma_start3A = tpu.memref_slice %arg6[%mul3A_30] : memref<10000xi32, #tpu.memory_space<vmem>> -> memref<1000xi32, #tpu.memory_space<vmem>>
        %dma_start3A_31 = arith.constant 0 : i32
        %dma_start3A_32 = arith.constant 0 : i32
        %dma_start3A_33 = tpu.memref_slice %arg2[%dma_start3A_31, %dma_start3A_32] : memref<10000x64xf32, #tpu.memory_space<hbm>> -> memref<10000x64xf32, #tpu.memory_space<hbm>>
        tpu.enqueue_indirect_dma source(%dma_start3A_33 : memref<10000x64xf32, #tpu.memory_space<hbm>>) target(%arg8 : memref<1000x64xf32, #tpu.memory_space<vmem>>) offsets(%dma_start3A : memref<1000xi32, #tpu.memory_space<vmem>>) semaphore(%run_scoped3A : memref<!tpu.dma_semaphore, #tpu.memory_space<semaphore_mem>>)
        %dma_wait3A = tpu.memref_slice %arg6[%mul3A_30] : memref<10000xi32, #tpu.memory_space<vmem>> -> memref<1000xi32, #tpu.memory_space<vmem>>
        %dma_wait3A_34 = arith.constant 0 : i32
        %dma_wait3A_35 = arith.constant 0 : i32
        %dma_wait3A_36 = tpu.memref_slice %arg2[%dma_wait3A_34, %dma_wait3A_35] : memref<10000x64xf32, #tpu.memory_space<hbm>> -> memref<10000x64xf32, #tpu.memory_space<hbm>>
        tpu.wait_indirect_dma semaphore(%run_scoped3A : memref<!tpu.dma_semaphore, #tpu.memory_space<semaphore_mem>>) src(%dma_wait3A_36 : memref<10000x64xf32, #tpu.memory_space<hbm>>) dst(%arg8 : memref<1000x64xf32, #tpu.memory_space<vmem>>)
        tpu.yield
      }) : () -> ()
      "tpu.region"() ({
        %run_scoped3A = tpu.sem_alloc : memref<!tpu.dma_semaphore, #tpu.memory_space<semaphore_mem>>
        %dma_start3A = tpu.memref_slice %arg7[%mul3A_30] : memref<10000xi32, #tpu.memory_space<vmem>> -> memref<1000xi32, #tpu.memory_space<vmem>>
        %dma_start3A_31 = arith.constant 0 : i32
        %dma_start3A_32 = arith.constant 0 : i32
        %dma_start3A_33 = tpu.memref_slice %arg9[%dma_start3A_31, %dma_start3A_32] : memref<10112x64xf32, #tpu.memory_space<vmem_shared>> -> memref<10112x64xf32, #tpu.memory_space<vmem_shared>>
        tpu.enqueue_indirect_dma source(%arg8 : memref<1000x64xf32, #tpu.memory_space<vmem>>) target(%dma_start3A_33 : memref<10112x64xf32, #tpu.memory_space<vmem_shared>>) offsets(%dma_start3A : memref<1000xi32, #tpu.memory_space<vmem>>) semaphore(%run_scoped3A : memref<!tpu.dma_semaphore, #tpu.memory_space<semaphore_mem>>) {add = true}
        %dma_wait3A = tpu.memref_slice %arg7[%mul3A_30] : memref<10000xi32, #tpu.memory_space<vmem>> -> memref<1000xi32, #tpu.memory_space<vmem>>
        %dma_wait3A_34 = arith.constant 0 : i32
        %dma_wait3A_35 = arith.constant 0 : i32
        %dma_wait3A_36 = tpu.memref_slice %arg9[%dma_wait3A_34, %dma_wait3A_35] : memref<10112x64xf32, #tpu.memory_space<vmem_shared>> -> memref<10112x64xf32, #tpu.memory_space<vmem_shared>>
        tpu.wait_indirect_dma semaphore(%run_scoped3A : memref<!tpu.dma_semaphore, #tpu.memory_space<semaphore_mem>>) src(%arg8 : memref<1000x64xf32, #tpu.memory_space<vmem>>) dst(%dma_wait3A_36 : memref<10112x64xf32, #tpu.memory_space<vmem_shared>>)
        tpu.yield
      }) : () -> ()
    }
    %while3A_22 = arith.constant 1 : i32
    scf.for %while3A_28 = %while3A_20 to %while3A_16 step %while3A_22  : i32 {
      %mul3A_29 = arith.constant 1000 : i32
      %mul3A_30 = arith.muli %while3A_28, %mul3A_29 : i32
      "tpu.region"() ({
        %run_scoped3A = tpu.sem_alloc : memref<!tpu.dma_semaphore, #tpu.memory_space<semaphore_mem>>
        %dma_start3A = tpu.memref_slice %arg6[%mul3A_30] : memref<10000xi32, #tpu.memory_space<vmem>> -> memref<1000xi32, #tpu.memory_space<vmem>>
        %dma_start3A_31 = arith.constant 0 : i32
        %dma_start3A_32 = arith.constant 0 : i32
        %dma_start3A_33 = tpu.memref_slice %arg2[%dma_start3A_31, %dma_start3A_32] : memref<10000x64xf32, #tpu.memory_space<hbm>> -> memref<10000x64xf32, #tpu.memory_space<hbm>>
        tpu.enqueue_indirect_dma source(%dma_start3A_33 : memref<10000x64xf32, #tpu.memory_space<hbm>>) target(%arg8 : memref<1000x64xf32, #tpu.memory_space<vmem>>) offsets(%dma_start3A : memref<1000xi32, #tpu.memory_space<vmem>>) semaphore(%run_scoped3A : memref<!tpu.dma_semaphore, #tpu.memory_space<semaphore_mem>>)
        %dma_wait3A = tpu.memref_slice %arg6[%mul3A_30] : memref<10000xi32, #tpu.memory_space<vmem>> -> memref<1000xi32, #tpu.memory_space<vmem>>
        %dma_wait3A_34 = arith.constant 0 : i32
        %dma_wait3A_35 = arith.constant 0 : i32
        %dma_wait3A_36 = tpu.memref_slice %arg2[%dma_wait3A_34, %dma_wait3A_35] : memref<10000x64xf32, #tpu.memory_space<hbm>> -> memref<10000x64xf32, #tpu.memory_space<hbm>>
        tpu.wait_indirect_dma semaphore(%run_scoped3A : memref<!tpu.dma_semaphore, #tpu.memory_space<semaphore_mem>>) src(%dma_wait3A_36 : memref<10000x64xf32, #tpu.memory_space<hbm>>) dst(%arg8 : memref<1000x64xf32, #tpu.memory_space<vmem>>)
        tpu.yield
      }) : () -> ()
      "tpu.region"() ({
        %run_scoped3A = tpu.sem_alloc : memref<!tpu.dma_semaphore, #tpu.memory_space<semaphore_mem>>
        %dma_start3A = tpu.memref_slice %arg7[%mul3A_30] : memref<10000xi32, #tpu.memory_space<vmem>> -> memref<1000xi32, #tpu.memory_space<vmem>>
        %dma_start3A_31 = arith.constant 0 : i32
        %dma_start3A_32 = arith.constant 0 : i32
        %dma_start3A_33 = tpu.memref_slice %arg9[%dma_start3A_31, %dma_start3A_32] : memref<10112x64xf32, #tpu.memory_space<vmem_shared>> -> memref<10112x64xf32, #tpu.memory_space<vmem_shared>>
        tpu.enqueue_indirect_dma source(%arg8 : memref<1000x64xf32, #tpu.memory_space<vmem>>) target(%dma_start3A_33 : memref<10112x64xf32, #tpu.memory_space<vmem_shared>>) offsets(%dma_start3A : memref<1000xi32, #tpu.memory_space<vmem>>) semaphore(%run_scoped3A : memref<!tpu.dma_semaphore, #tpu.memory_space<semaphore_mem>>) {add = true}
        %dma_wait3A = tpu.memref_slice %arg7[%mul3A_30] : memref<10000xi32, #tpu.memory_space<vmem>> -> memref<1000xi32, #tpu.memory_space<vmem>>
        %dma_wait3A_34 = arith.constant 0 : i32
        %dma_wait3A_35 = arith.constant 0 : i32
        %dma_wait3A_36 = tpu.memref_slice %arg9[%dma_wait3A_34, %dma_wait3A_35] : memref<10112x64xf32, #tpu.memory_space<vmem_shared>> -> memref<10112x64xf32, #tpu.memory_space<vmem_shared>>
        tpu.wait_indirect_dma semaphore(%run_scoped3A : memref<!tpu.dma_semaphore, #tpu.memory_space<semaphore_mem>>) src(%arg8 : memref<1000x64xf32, #tpu.memory_space<vmem>>) dst(%dma_wait3A_36 : memref<10112x64xf32, #tpu.memory_space<vmem_shared>>)
        tpu.yield
      }) : () -> ()
    }
    %barrier3A_23 = arith.constant 0 : index
    tpu.barrier barrier_id(%barrier3A_23)
    %mul3A_24 = arith.constant 632 : i32
    %mul3A_25 = arith.muli %arg1, %mul3A_24 : i32
    %mul3A_26 = arith.constant 632 : i32
    %mul3A_27 = arith.muli %arg1, %mul3A_26 : i32
    "tpu.region"() ({
      %run_scoped3A = tpu.sem_alloc : memref<!tpu.dma_semaphore, #tpu.memory_space<semaphore_mem>>
      %dma_start3A = arith.constant 0 : i32
      %dma_start3A_28 = tpu.memref_slice %arg5[%arg0, %mul3A_27, %dma_start3A] : memref<2x10112x64xf32, #tpu.memory_space<hbm>> -> memref<1x632x64xf32, #tpu.memory_space<hbm>>
      %dma_start3A_29 = tpu.memref_squeeze %dma_start3A_28 : memref<1x632x64xf32, #tpu.memory_space<hbm>> -> memref<632x64xf32, #tpu.memory_space<hbm>>
      %dma_start3A_30 = arith.constant 0 : i32
      %dma_start3A_31 = tpu.memref_slice %arg9[%mul3A_25, %dma_start3A_30] : memref<10112x64xf32, #tpu.memory_space<vmem_shared>> -> memref<632x64xf32, #tpu.memory_space<vmem_shared>>
      tpu.enqueue_dma source(%dma_start3A_31 : memref<632x64xf32, #tpu.memory_space<vmem_shared>>) target(%dma_start3A_29 : memref<632x64xf32, #tpu.memory_space<hbm>>) target_semaphore(%run_scoped3A : memref<!tpu.dma_semaphore, #tpu.memory_space<semaphore_mem>>)
      %dma_wait3A = arith.constant 0 : i32
      %dma_wait3A_32 = tpu.memref_slice %arg5[%arg0, %mul3A_27, %dma_wait3A] : memref<2x10112x64xf32, #tpu.memory_space<hbm>> -> memref<1x632x64xf32, #tpu.memory_space<hbm>>
      %dma_wait3A_33 = tpu.memref_squeeze %dma_wait3A_32 : memref<1x632x64xf32, #tpu.memory_space<hbm>> -> memref<632x64xf32, #tpu.memory_space<hbm>>
      %dma_wait3A_34 = arith.constant 0 : i32
      %dma_wait3A_35 = tpu.memref_slice %arg9[%mul3A_25, %dma_wait3A_34] : memref<10112x64xf32, #tpu.memory_space<vmem_shared>> -> memref<632x64xf32, #tpu.memory_space<vmem_shared>>
      tpu.wait_dma2 semaphore(%run_scoped3A : memref<!tpu.dma_semaphore, #tpu.memory_space<semaphore_mem>>) src(%dma_wait3A_35 : memref<632x64xf32, #tpu.memory_space<vmem_shared>>) dst(%dma_wait3A_33 : memref<632x64xf32, #tpu.memory_space<hbm>>)
      tpu.yield
    }) : () -> ()
    return
  }
}

#map = affine_map<(d0, d1) -> (0, 0)>
#map1 = affine_map<(d0, d1) -> (0, 0, 0)>
module attributes {stable_mosaic.version = 14 : i64} {
  func.func @_sc_agg(%arg0: i32, %arg1: i32, %arg2: memref<10000x64xf32, #tpu.memory_space<hbm>>, %arg3: memref<2x320000xi32, #tpu.memory_space<hbm>>, %arg4: memref<10112x64xf32, #tpu.memory_space<hbm>>, %arg5: memref<2x10112x64xf32, #tpu.memory_space<hbm>>, %arg6: memref<10000xi32, #tpu.memory_space<vmem>>, %arg7: memref<10000xi32, #tpu.memory_space<vmem>>, %arg8: memref<1000x64xf32, #tpu.memory_space<vmem>>, %arg9: memref<10112x64xf32, #tpu.memory_space<vmem_shared>>) attributes {dimension_semantics = [#tpu.dimension_semantics<core_parallel>, #tpu.dimension_semantics<subcore_parallel>], iteration_bounds = array<i64: 2, 16>, scalar_prefetch = 0 : i64, scratch_operands = 4 : i64, tpu.core_type = #tpu.core_type<sc_vector_subcore>, window_params = [{transform_indices = #map}, {transform_indices = #map}, {transform_indices = #map}, {transform_indices = #map1}]} {
    %mul3A = arith.constant 632 : i32
    %mul3A_0 = arith.muli %arg1, %mul3A : i32
    %mul3A_1 = arith.constant 632 : i32
    %mul3A_2 = arith.muli %arg1, %mul3A_1 : i32
    "tpu.region"() ({
      %run_scoped3A = tpu.sem_alloc : memref<!tpu.dma_semaphore, #tpu.memory_space<semaphore_mem>>
      %dma_start3A = arith.constant 0 : i32
      %dma_start3A_28 = tpu.memref_slice %arg9[%mul3A_2, %dma_start3A] : memref<10112x64xf32, #tpu.memory_space<vmem_shared>> -> memref<632x64xf32, #tpu.memory_space<vmem_shared>>
      %dma_start3A_29 = arith.constant 0 : i32
      %dma_start3A_30 = tpu.memref_slice %arg4[%mul3A_0, %dma_start3A_29] : memref<10112x64xf32, #tpu.memory_space<hbm>> -> memref<632x64xf32, #tpu.memory_space<hbm>>
      tpu.enqueue_dma source(%dma_start3A_30 : memref<632x64xf32, #tpu.memory_space<hbm>>) target(%dma_start3A_28 : memref<632x64xf32, #tpu.memory_space<vmem_shared>>) target_semaphore(%run_scoped3A : memref<!tpu.dma_semaphore, #tpu.memory_space<semaphore_mem>>)
      %dma_wait3A = arith.constant 0 : i32
      %dma_wait3A_31 = tpu.memref_slice %arg9[%mul3A_2, %dma_wait3A] : memref<10112x64xf32, #tpu.memory_space<vmem_shared>> -> memref<632x64xf32, #tpu.memory_space<vmem_shared>>
      %dma_wait3A_32 = arith.constant 0 : i32
      %dma_wait3A_33 = tpu.memref_slice %arg4[%mul3A_0, %dma_wait3A_32] : memref<10112x64xf32, #tpu.memory_space<hbm>> -> memref<632x64xf32, #tpu.memory_space<hbm>>
      tpu.wait_dma2 semaphore(%run_scoped3A : memref<!tpu.dma_semaphore, #tpu.memory_space<semaphore_mem>>) src(%dma_wait3A_33 : memref<632x64xf32, #tpu.memory_space<hbm>>) dst(%dma_wait3A_31 : memref<632x64xf32, #tpu.memory_space<vmem_shared>>)
      tpu.yield
    }) : () -> ()
    %eq3A = arith.constant 0 : i32
    %eq3A_3 = arith.cmpi eq, %arg0, %eq3A : i32
    %convert_element_type3A = arith.extui %eq3A_3 : i1 to i32
    %cond3A = arith.constant 0 : i32
    %cond3A_4 = arith.cmpi ne, %convert_element_type3A, %cond3A : i32
    scf.if %cond3A_4 {
      %mul3A_28 = arith.constant 10000 : i32
      %mul3A_29 = arith.muli %arg1, %mul3A_28 : i32
      %run_scoped3A = arith.constant 0 : i32
      "tpu.region"() ({
        %run_scoped3A_31 = tpu.sem_alloc : memref<!tpu.dma_semaphore, #tpu.memory_space<semaphore_mem>>
        %dma_start3A = tpu.memref_slice %arg3[%run_scoped3A, %mul3A_29] : memref<2x320000xi32, #tpu.memory_space<hbm>> -> memref<1x10000xi32, #tpu.memory_space<hbm>>
        %dma_start3A_32 = tpu.memref_squeeze %dma_start3A : memref<1x10000xi32, #tpu.memory_space<hbm>> -> memref<10000xi32, #tpu.memory_space<hbm>>
        %dma_start3A_33 = tpu.memref_slice %arg3[%run_scoped3A, %mul3A_29] : memref<2x320000xi32, #tpu.memory_space<hbm>> -> memref<1x10000xi32, #tpu.memory_space<hbm>>
        %dma_start3A_34 = tpu.memref_squeeze %dma_start3A_33 : memref<1x10000xi32, #tpu.memory_space<hbm>> -> memref<10000xi32, #tpu.memory_space<hbm>>
        tpu.enqueue_dma source(%dma_start3A_34 : memref<10000xi32, #tpu.memory_space<hbm>>) target(%arg6 : memref<10000xi32, #tpu.memory_space<vmem>>) target_semaphore(%run_scoped3A_31 : memref<!tpu.dma_semaphore, #tpu.memory_space<semaphore_mem>>)
        %dma_wait3A = tpu.memref_slice %arg3[%run_scoped3A, %mul3A_29] : memref<2x320000xi32, #tpu.memory_space<hbm>> -> memref<1x10000xi32, #tpu.memory_space<hbm>>
        %dma_wait3A_35 = tpu.memref_squeeze %dma_wait3A : memref<1x10000xi32, #tpu.memory_space<hbm>> -> memref<10000xi32, #tpu.memory_space<hbm>>
        %dma_wait3A_36 = tpu.memref_slice %arg3[%run_scoped3A, %mul3A_29] : memref<2x320000xi32, #tpu.memory_space<hbm>> -> memref<1x10000xi32, #tpu.memory_space<hbm>>
        %dma_wait3A_37 = tpu.memref_squeeze %dma_wait3A_36 : memref<1x10000xi32, #tpu.memory_space<hbm>> -> memref<10000xi32, #tpu.memory_space<hbm>>
        tpu.wait_dma2 semaphore(%run_scoped3A_31 : memref<!tpu.dma_semaphore, #tpu.memory_space<semaphore_mem>>) src(%dma_wait3A_37 : memref<10000xi32, #tpu.memory_space<hbm>>) dst(%arg6 : memref<10000xi32, #tpu.memory_space<vmem>>)
        tpu.yield
      }) : () -> ()
      %run_scoped3A_30 = arith.constant 1 : i32
      "tpu.region"() ({
        %run_scoped3A_31 = tpu.sem_alloc : memref<!tpu.dma_semaphore, #tpu.memory_space<semaphore_mem>>
        %dma_start3A = tpu.memref_slice %arg3[%run_scoped3A_30, %mul3A_29] : memref<2x320000xi32, #tpu.memory_space<hbm>> -> memref<1x10000xi32, #tpu.memory_space<hbm>>
        %dma_start3A_32 = tpu.memref_squeeze %dma_start3A : memref<1x10000xi32, #tpu.memory_space<hbm>> -> memref<10000xi32, #tpu.memory_space<hbm>>
        %dma_start3A_33 = tpu.memref_slice %arg3[%run_scoped3A_30, %mul3A_29] : memref<2x320000xi32, #tpu.memory_space<hbm>> -> memref<1x10000xi32, #tpu.memory_space<hbm>>
        %dma_start3A_34 = tpu.memref_squeeze %dma_start3A_33 : memref<1x10000xi32, #tpu.memory_space<hbm>> -> memref<10000xi32, #tpu.memory_space<hbm>>
        tpu.enqueue_dma source(%dma_start3A_34 : memref<10000xi32, #tpu.memory_space<hbm>>) target(%arg7 : memref<10000xi32, #tpu.memory_space<vmem>>) target_semaphore(%run_scoped3A_31 : memref<!tpu.dma_semaphore, #tpu.memory_space<semaphore_mem>>)
        %dma_wait3A = tpu.memref_slice %arg3[%run_scoped3A_30, %mul3A_29] : memref<2x320000xi32, #tpu.memory_space<hbm>> -> memref<1x10000xi32, #tpu.memory_space<hbm>>
        %dma_wait3A_35 = tpu.memref_squeeze %dma_wait3A : memref<1x10000xi32, #tpu.memory_space<hbm>> -> memref<10000xi32, #tpu.memory_space<hbm>>
        %dma_wait3A_36 = tpu.memref_slice %arg3[%run_scoped3A_30, %mul3A_29] : memref<2x320000xi32, #tpu.memory_space<hbm>> -> memref<1x10000xi32, #tpu.memory_space<hbm>>
        %dma_wait3A_37 = tpu.memref_squeeze %dma_wait3A_36 : memref<1x10000xi32, #tpu.memory_space<hbm>> -> memref<10000xi32, #tpu.memory_space<hbm>>
        tpu.wait_dma2 semaphore(%run_scoped3A_31 : memref<!tpu.dma_semaphore, #tpu.memory_space<semaphore_mem>>) src(%dma_wait3A_37 : memref<10000xi32, #tpu.memory_space<hbm>>) dst(%arg7 : memref<10000xi32, #tpu.memory_space<vmem>>)
        tpu.yield
      }) : () -> ()
    } else {
    }
    %eq3A_5 = arith.constant 1 : i32
    %eq3A_6 = arith.cmpi eq, %arg0, %eq3A_5 : i32
    %convert_element_type3A_7 = arith.extui %eq3A_6 : i1 to i32
    %cond3A_8 = arith.constant 0 : i32
    %cond3A_9 = arith.cmpi ne, %convert_element_type3A_7, %cond3A_8 : i32
    scf.if %cond3A_9 {
      %mul3A_28 = arith.constant 10000 : i32
      %mul3A_29 = arith.muli %arg1, %mul3A_28 : i32
      %add3A = arith.constant 160000 : i32
      %add3A_30 = arith.addi %add3A, %mul3A_29 : i32
      %run_scoped3A = arith.constant 0 : i32
      "tpu.region"() ({
        %run_scoped3A_32 = tpu.sem_alloc : memref<!tpu.dma_semaphore, #tpu.memory_space<semaphore_mem>>
        %dma_start3A = arith.constant 0 : i32
        %dma_start3A_33 = tpu.memref_slice %arg6[%dma_start3A] : memref<10000xi32, #tpu.memory_space<vmem>> -> memref<10000xi32, #tpu.memory_space<vmem>>
        %dma_start3A_34 = tpu.memref_slice %arg3[%run_scoped3A, %add3A_30] : memref<2x320000xi32, #tpu.memory_space<hbm>> -> memref<1x10000xi32, #tpu.memory_space<hbm>>
        %dma_start3A_35 = tpu.memref_squeeze %dma_start3A_34 : memref<1x10000xi32, #tpu.memory_space<hbm>> -> memref<10000xi32, #tpu.memory_space<hbm>>
        %dma_start3A_36 = arith.constant 0 : i32
        %dma_start3A_37 = tpu.memref_slice %arg6[%dma_start3A_36] : memref<10000xi32, #tpu.memory_space<vmem>> -> memref<10000xi32, #tpu.memory_space<vmem>>
        %dma_start3A_38 = tpu.memref_slice %arg3[%run_scoped3A, %add3A_30] : memref<2x320000xi32, #tpu.memory_space<hbm>> -> memref<1x10000xi32, #tpu.memory_space<hbm>>
        %dma_start3A_39 = tpu.memref_squeeze %dma_start3A_38 : memref<1x10000xi32, #tpu.memory_space<hbm>> -> memref<10000xi32, #tpu.memory_space<hbm>>
        tpu.enqueue_dma source(%dma_start3A_39 : memref<10000xi32, #tpu.memory_space<hbm>>) target(%dma_start3A_37 : memref<10000xi32, #tpu.memory_space<vmem>>) target_semaphore(%run_scoped3A_32 : memref<!tpu.dma_semaphore, #tpu.memory_space<semaphore_mem>>)
        %dma_wait3A = arith.constant 0 : i32
        %dma_wait3A_40 = tpu.memref_slice %arg6[%dma_wait3A] : memref<10000xi32, #tpu.memory_space<vmem>> -> memref<10000xi32, #tpu.memory_space<vmem>>
        %dma_wait3A_41 = tpu.memref_slice %arg3[%run_scoped3A, %add3A_30] : memref<2x320000xi32, #tpu.memory_space<hbm>> -> memref<1x10000xi32, #tpu.memory_space<hbm>>
        %dma_wait3A_42 = tpu.memref_squeeze %dma_wait3A_41 : memref<1x10000xi32, #tpu.memory_space<hbm>> -> memref<10000xi32, #tpu.memory_space<hbm>>
        %dma_wait3A_43 = arith.constant 0 : i32
        %dma_wait3A_44 = tpu.memref_slice %arg6[%dma_wait3A_43] : memref<10000xi32, #tpu.memory_space<vmem>> -> memref<10000xi32, #tpu.memory_space<vmem>>
        %dma_wait3A_45 = tpu.memref_slice %arg3[%run_scoped3A, %add3A_30] : memref<2x320000xi32, #tpu.memory_space<hbm>> -> memref<1x10000xi32, #tpu.memory_space<hbm>>
        %dma_wait3A_46 = tpu.memref_squeeze %dma_wait3A_45 : memref<1x10000xi32, #tpu.memory_space<hbm>> -> memref<10000xi32, #tpu.memory_space<hbm>>
        tpu.wait_dma2 semaphore(%run_scoped3A_32 : memref<!tpu.dma_semaphore, #tpu.memory_space<semaphore_mem>>) src(%dma_wait3A_46 : memref<10000xi32, #tpu.memory_space<hbm>>) dst(%dma_wait3A_44 : memref<10000xi32, #tpu.memory_space<vmem>>)
        tpu.yield
      }) : () -> ()
      %run_scoped3A_31 = arith.constant 1 : i32
      "tpu.region"() ({
        %run_scoped3A_32 = tpu.sem_alloc : memref<!tpu.dma_semaphore, #tpu.memory_space<semaphore_mem>>
        %dma_start3A = arith.constant 0 : i32
        %dma_start3A_33 = tpu.memref_slice %arg7[%dma_start3A] : memref<10000xi32, #tpu.memory_space<vmem>> -> memref<10000xi32, #tpu.memory_space<vmem>>
        %dma_start3A_34 = tpu.memref_slice %arg3[%run_scoped3A_31, %add3A_30] : memref<2x320000xi32, #tpu.memory_space<hbm>> -> memref<1x10000xi32, #tpu.memory_space<hbm>>
        %dma_start3A_35 = tpu.memref_squeeze %dma_start3A_34 : memref<1x10000xi32, #tpu.memory_space<hbm>> -> memref<10000xi32, #tpu.memory_space<hbm>>
        %dma_start3A_36 = arith.constant 0 : i32
        %dma_start3A_37 = tpu.memref_slice %arg7[%dma_start3A_36] : memref<10000xi32, #tpu.memory_space<vmem>> -> memref<10000xi32, #tpu.memory_space<vmem>>
        %dma_start3A_38 = tpu.memref_slice %arg3[%run_scoped3A_31, %add3A_30] : memref<2x320000xi32, #tpu.memory_space<hbm>> -> memref<1x10000xi32, #tpu.memory_space<hbm>>
        %dma_start3A_39 = tpu.memref_squeeze %dma_start3A_38 : memref<1x10000xi32, #tpu.memory_space<hbm>> -> memref<10000xi32, #tpu.memory_space<hbm>>
        tpu.enqueue_dma source(%dma_start3A_39 : memref<10000xi32, #tpu.memory_space<hbm>>) target(%dma_start3A_37 : memref<10000xi32, #tpu.memory_space<vmem>>) target_semaphore(%run_scoped3A_32 : memref<!tpu.dma_semaphore, #tpu.memory_space<semaphore_mem>>)
        %dma_wait3A = arith.constant 0 : i32
        %dma_wait3A_40 = tpu.memref_slice %arg7[%dma_wait3A] : memref<10000xi32, #tpu.memory_space<vmem>> -> memref<10000xi32, #tpu.memory_space<vmem>>
        %dma_wait3A_41 = tpu.memref_slice %arg3[%run_scoped3A_31, %add3A_30] : memref<2x320000xi32, #tpu.memory_space<hbm>> -> memref<1x10000xi32, #tpu.memory_space<hbm>>
        %dma_wait3A_42 = tpu.memref_squeeze %dma_wait3A_41 : memref<1x10000xi32, #tpu.memory_space<hbm>> -> memref<10000xi32, #tpu.memory_space<hbm>>
        %dma_wait3A_43 = arith.constant 0 : i32
        %dma_wait3A_44 = tpu.memref_slice %arg7[%dma_wait3A_43] : memref<10000xi32, #tpu.memory_space<vmem>> -> memref<10000xi32, #tpu.memory_space<vmem>>
        %dma_wait3A_45 = tpu.memref_slice %arg3[%run_scoped3A_31, %add3A_30] : memref<2x320000xi32, #tpu.memory_space<hbm>> -> memref<1x10000xi32, #tpu.memory_space<hbm>>
        %dma_wait3A_46 = tpu.memref_squeeze %dma_wait3A_45 : memref<1x10000xi32, #tpu.memory_space<hbm>> -> memref<10000xi32, #tpu.memory_space<hbm>>
        tpu.wait_dma2 semaphore(%run_scoped3A_32 : memref<!tpu.dma_semaphore, #tpu.memory_space<semaphore_mem>>) src(%dma_wait3A_46 : memref<10000xi32, #tpu.memory_space<hbm>>) dst(%dma_wait3A_44 : memref<10000xi32, #tpu.memory_space<vmem>>)
        tpu.yield
      }) : () -> ()
    } else {
    }
    %barrier3A = arith.constant 0 : index
    tpu.barrier barrier_id(%barrier3A)
    %eq3A_10 = arith.constant 0 : i32
    %eq3A_11 = arith.cmpi eq, %arg0, %eq3A_10 : i32
    %select_n3A = arith.constant 10 : i32
    %select_n3A_12 = arith.constant 10 : i32
    %select_n3A_13 = arith.select %eq3A_11, %select_n3A_12, %select_n3A : i32
    %while3A = arith.constant 0 : i32
    %while3A_14 = arith.constant 0 : i32
    %while3A_15 = arith.subi %select_n3A_13, %while3A_14 : i32
    %while3A_16 = arith.addi %while3A_14, %while3A_15 : i32
    %while3A_17 = arith.constant 1 : i32
    %while3A_18 = arith.divsi %while3A_15, %while3A_17 : i32
    %while3A_19 = arith.muli %while3A_18, %while3A_17 : i32
    %while3A_20 = arith.addi %while3A_14, %while3A_19 : i32
    %while3A_21 = arith.constant 1 : i32
    scf.for %while3A_28 = %while3A_14 to %while3A_20 step %while3A_21  : i32 {
      %mul3A_29 = arith.constant 1000 : i32
      %mul3A_30 = arith.muli %while3A_28, %mul3A_29 : i32
      "tpu.region"() ({
        %run_scoped3A = tpu.sem_alloc : memref<!tpu.dma_semaphore, #tpu.memory_space<semaphore_mem>>
        %dma_start3A = tpu.memref_slice %arg6[%mul3A_30] : memref<10000xi32, #tpu.memory_space<vmem>> -> memref<1000xi32, #tpu.memory_space<vmem>>
        %dma_start3A_31 = arith.constant 0 : i32
        %dma_start3A_32 = arith.constant 0 : i32
        %dma_start3A_33 = tpu.memref_slice %arg2[%dma_start3A_31, %dma_start3A_32] : memref<10000x64xf32, #tpu.memory_space<hbm>> -> memref<10000x64xf32, #tpu.memory_space<hbm>>
        tpu.enqueue_indirect_dma source(%dma_start3A_33 : memref<10000x64xf32, #tpu.memory_space<hbm>>) target(%arg8 : memref<1000x64xf32, #tpu.memory_space<vmem>>) offsets(%dma_start3A : memref<1000xi32, #tpu.memory_space<vmem>>) semaphore(%run_scoped3A : memref<!tpu.dma_semaphore, #tpu.memory_space<semaphore_mem>>)
        %dma_wait3A = tpu.memref_slice %arg6[%mul3A_30] : memref<10000xi32, #tpu.memory_space<vmem>> -> memref<1000xi32, #tpu.memory_space<vmem>>
        %dma_wait3A_34 = arith.constant 0 : i32
        %dma_wait3A_35 = arith.constant 0 : i32
        %dma_wait3A_36 = tpu.memref_slice %arg2[%dma_wait3A_34, %dma_wait3A_35] : memref<10000x64xf32, #tpu.memory_space<hbm>> -> memref<10000x64xf32, #tpu.memory_space<hbm>>
        tpu.wait_indirect_dma semaphore(%run_scoped3A : memref<!tpu.dma_semaphore, #tpu.memory_space<semaphore_mem>>) src(%dma_wait3A_36 : memref<10000x64xf32, #tpu.memory_space<hbm>>) dst(%arg8 : memref<1000x64xf32, #tpu.memory_space<vmem>>)
        tpu.yield
      }) : () -> ()
      "tpu.region"() ({
        %run_scoped3A = tpu.sem_alloc : memref<!tpu.dma_semaphore, #tpu.memory_space<semaphore_mem>>
        %dma_start3A = tpu.memref_slice %arg7[%mul3A_30] : memref<10000xi32, #tpu.memory_space<vmem>> -> memref<1000xi32, #tpu.memory_space<vmem>>
        %dma_start3A_31 = arith.constant 0 : i32
        %dma_start3A_32 = arith.constant 0 : i32
        %dma_start3A_33 = tpu.memref_slice %arg9[%dma_start3A_31, %dma_start3A_32] : memref<10112x64xf32, #tpu.memory_space<vmem_shared>> -> memref<10112x64xf32, #tpu.memory_space<vmem_shared>>
        tpu.enqueue_indirect_dma source(%arg8 : memref<1000x64xf32, #tpu.memory_space<vmem>>) target(%dma_start3A_33 : memref<10112x64xf32, #tpu.memory_space<vmem_shared>>) offsets(%dma_start3A : memref<1000xi32, #tpu.memory_space<vmem>>) semaphore(%run_scoped3A : memref<!tpu.dma_semaphore, #tpu.memory_space<semaphore_mem>>) {add = true}
        %dma_wait3A = tpu.memref_slice %arg7[%mul3A_30] : memref<10000xi32, #tpu.memory_space<vmem>> -> memref<1000xi32, #tpu.memory_space<vmem>>
        %dma_wait3A_34 = arith.constant 0 : i32
        %dma_wait3A_35 = arith.constant 0 : i32
        %dma_wait3A_36 = tpu.memref_slice %arg9[%dma_wait3A_34, %dma_wait3A_35] : memref<10112x64xf32, #tpu.memory_space<vmem_shared>> -> memref<10112x64xf32, #tpu.memory_space<vmem_shared>>
        tpu.wait_indirect_dma semaphore(%run_scoped3A : memref<!tpu.dma_semaphore, #tpu.memory_space<semaphore_mem>>) src(%arg8 : memref<1000x64xf32, #tpu.memory_space<vmem>>) dst(%dma_wait3A_36 : memref<10112x64xf32, #tpu.memory_space<vmem_shared>>)
        tpu.yield
      }) : () -> ()
    }
    %while3A_22 = arith.constant 1 : i32
    scf.for %while3A_28 = %while3A_20 to %while3A_16 step %while3A_22  : i32 {
      %mul3A_29 = arith.constant 1000 : i32
      %mul3A_30 = arith.muli %while3A_28, %mul3A_29 : i32
      "tpu.region"() ({
        %run_scoped3A = tpu.sem_alloc : memref<!tpu.dma_semaphore, #tpu.memory_space<semaphore_mem>>
        %dma_start3A = tpu.memref_slice %arg6[%mul3A_30] : memref<10000xi32, #tpu.memory_space<vmem>> -> memref<1000xi32, #tpu.memory_space<vmem>>
        %dma_start3A_31 = arith.constant 0 : i32
        %dma_start3A_32 = arith.constant 0 : i32
        %dma_start3A_33 = tpu.memref_slice %arg2[%dma_start3A_31, %dma_start3A_32] : memref<10000x64xf32, #tpu.memory_space<hbm>> -> memref<10000x64xf32, #tpu.memory_space<hbm>>
        tpu.enqueue_indirect_dma source(%dma_start3A_33 : memref<10000x64xf32, #tpu.memory_space<hbm>>) target(%arg8 : memref<1000x64xf32, #tpu.memory_space<vmem>>) offsets(%dma_start3A : memref<1000xi32, #tpu.memory_space<vmem>>) semaphore(%run_scoped3A : memref<!tpu.dma_semaphore, #tpu.memory_space<semaphore_mem>>)
        %dma_wait3A = tpu.memref_slice %arg6[%mul3A_30] : memref<10000xi32, #tpu.memory_space<vmem>> -> memref<1000xi32, #tpu.memory_space<vmem>>
        %dma_wait3A_34 = arith.constant 0 : i32
        %dma_wait3A_35 = arith.constant 0 : i32
        %dma_wait3A_36 = tpu.memref_slice %arg2[%dma_wait3A_34, %dma_wait3A_35] : memref<10000x64xf32, #tpu.memory_space<hbm>> -> memref<10000x64xf32, #tpu.memory_space<hbm>>
        tpu.wait_indirect_dma semaphore(%run_scoped3A : memref<!tpu.dma_semaphore, #tpu.memory_space<semaphore_mem>>) src(%dma_wait3A_36 : memref<10000x64xf32, #tpu.memory_space<hbm>>) dst(%arg8 : memref<1000x64xf32, #tpu.memory_space<vmem>>)
        tpu.yield
      }) : () -> ()
      "tpu.region"() ({
        %run_scoped3A = tpu.sem_alloc : memref<!tpu.dma_semaphore, #tpu.memory_space<semaphore_mem>>
        %dma_start3A = tpu.memref_slice %arg7[%mul3A_30] : memref<10000xi32, #tpu.memory_space<vmem>> -> memref<1000xi32, #tpu.memory_space<vmem>>
        %dma_start3A_31 = arith.constant 0 : i32
        %dma_start3A_32 = arith.constant 0 : i32
        %dma_start3A_33 = tpu.memref_slice %arg9[%dma_start3A_31, %dma_start3A_32] : memref<10112x64xf32, #tpu.memory_space<vmem_shared>> -> memref<10112x64xf32, #tpu.memory_space<vmem_shared>>
        tpu.enqueue_indirect_dma source(%arg8 : memref<1000x64xf32, #tpu.memory_space<vmem>>) target(%dma_start3A_33 : memref<10112x64xf32, #tpu.memory_space<vmem_shared>>) offsets(%dma_start3A : memref<1000xi32, #tpu.memory_space<vmem>>) semaphore(%run_scoped3A : memref<!tpu.dma_semaphore, #tpu.memory_space<semaphore_mem>>) {add = true}
        %dma_wait3A = tpu.memref_slice %arg7[%mul3A_30] : memref<10000xi32, #tpu.memory_space<vmem>> -> memref<1000xi32, #tpu.memory_space<vmem>>
        %dma_wait3A_34 = arith.constant 0 : i32
        %dma_wait3A_35 = arith.constant 0 : i32
        %dma_wait3A_36 = tpu.memref_slice %arg9[%dma_wait3A_34, %dma_wait3A_35] : memref<10112x64xf32, #tpu.memory_space<vmem_shared>> -> memref<10112x64xf32, #tpu.memory_space<vmem_shared>>
        tpu.wait_indirect_dma semaphore(%run_scoped3A : memref<!tpu.dma_semaphore, #tpu.memory_space<semaphore_mem>>) src(%arg8 : memref<1000x64xf32, #tpu.memory_space<vmem>>) dst(%dma_wait3A_36 : memref<10112x64xf32, #tpu.memory_space<vmem_shared>>)
        tpu.yield
      }) : () -> ()
    }
    %barrier3A_23 = arith.constant 0 : index
    tpu.barrier barrier_id(%barrier3A_23)
    %mul3A_24 = arith.constant 632 : i32
    %mul3A_25 = arith.muli %arg1, %mul3A_24 : i32
    %mul3A_26 = arith.constant 632 : i32
    %mul3A_27 = arith.muli %arg1, %mul3A_26 : i32
    "tpu.region"() ({
      %run_scoped3A = tpu.sem_alloc : memref<!tpu.dma_semaphore, #tpu.memory_space<semaphore_mem>>
      %dma_start3A = arith.constant 0 : i32
      %dma_start3A_28 = tpu.memref_slice %arg5[%arg0, %mul3A_27, %dma_start3A] : memref<2x10112x64xf32, #tpu.memory_space<hbm>> -> memref<1x632x64xf32, #tpu.memory_space<hbm>>
      %dma_start3A_29 = tpu.memref_squeeze %dma_start3A_28 : memref<1x632x64xf32, #tpu.memory_space<hbm>> -> memref<632x64xf32, #tpu.memory_space<hbm>>
      %dma_start3A_30 = arith.constant 0 : i32
      %dma_start3A_31 = tpu.memref_slice %arg9[%mul3A_25, %dma_start3A_30] : memref<10112x64xf32, #tpu.memory_space<vmem_shared>> -> memref<632x64xf32, #tpu.memory_space<vmem_shared>>
      tpu.enqueue_dma source(%dma_start3A_31 : memref<632x64xf32, #tpu.memory_space<vmem_shared>>) target(%dma_start3A_29 : memref<632x64xf32, #tpu.memory_space<hbm>>) target_semaphore(%run_scoped3A : memref<!tpu.dma_semaphore, #tpu.memory_space<semaphore_mem>>)
      %dma_wait3A = arith.constant 0 : i32
      %dma_wait3A_32 = tpu.memref_slice %arg5[%arg0, %mul3A_27, %dma_wait3A] : memref<2x10112x64xf32, #tpu.memory_space<hbm>> -> memref<1x632x64xf32, #tpu.memory_space<hbm>>
      %dma_wait3A_33 = tpu.memref_squeeze %dma_wait3A_32 : memref<1x632x64xf32, #tpu.memory_space<hbm>> -> memref<632x64xf32, #tpu.memory_space<hbm>>
      %dma_wait3A_34 = arith.constant 0 : i32
      %dma_wait3A_35 = tpu.memref_slice %arg9[%mul3A_25, %dma_wait3A_34] : memref<10112x64xf32, #tpu.memory_space<vmem_shared>> -> memref<632x64xf32, #tpu.memory_space<vmem_shared>>
      tpu.wait_dma2 semaphore(%run_scoped3A : memref<!tpu.dma_semaphore, #tpu.memory_space<semaphore_mem>>) src(%dma_wait3A_35 : memref<632x64xf32, #tpu.memory_space<vmem_shared>>) dst(%dma_wait3A_33 : memref<632x64xf32, #tpu.memory_space<hbm>>)
      tpu.yield
    }) : () -> ()
    return
  }
}

module attributes {stable_mosaic.version = 14 : i64} {
  func.func @_mm_body(%arg0: i32, %arg1: memref<10000x128xf32, #tpu.memory_space<vmem>>, %arg2: memref<128x64xf32, #tpu.memory_space<vmem>>, %arg3: memref<10000x64xf32, #tpu.memory_space<vmem>>) attributes {dimension_semantics = [#tpu.dimension_semantics<arbitrary>], iteration_bounds = array<i64: 1>, scalar_prefetch = 0 : i64, scratch_operands = 0 : i64, tpu.core_type = #tpu.core_type<tc>, window_params = [{transform_indices = @transform_0, window_bounds = array<i64: 10000, 128>}, {pipeline_mode = #tpu.pipeline_mode<synchronous>, transform_indices = @transform_1, window_bounds = array<i64: 128, 64>}, {transform_indices = @transform_2, window_bounds = array<i64: 10000, 64>}]} {
    %get3A = arith.constant 0 : index
    %get3A_0 = arith.constant 0 : index
    %get3A_1 = vector.load %arg1[%get3A, %get3A_0] : memref<10000x128xf32, #tpu.memory_space<vmem>>, vector<10000x128xf32>
    %get3A_2 = arith.constant 0 : index
    %get3A_3 = arith.constant 0 : index
    %get3A_4 = vector.load %arg2[%get3A_2, %get3A_3] : memref<128x64xf32, #tpu.memory_space<vmem>>, vector<128x64xf32>
    %dot_general3A = arith.constant dense<0.000000e+00> : vector<10000x64xf32>
    %dot_general3A_5 = tpu.matmul %get3A_1, %get3A_4, %dot_general3A {dimension_numbers = #tpu.dot_dimension_numbers<[1], [0], [0], [1], [0, 0, 1, 1], [], []>, transpose_lhs_hint = false} : vector<10000x128xf32>, vector<128x64xf32>, vector<10000x64xf32> -> vector<10000x64xf32>
    %swap3A = arith.constant 0 : index
    %swap3A_6 = arith.constant 0 : index
    %swap3A_7 = vector.load %arg3[%swap3A, %swap3A_6] : memref<10000x64xf32, #tpu.memory_space<vmem>>, vector<10000x64xf32>
    tpu.vector_store %arg3[%swap3A, %swap3A_6], %dot_general3A_5 {strides = array<i32>} : memref<10000x64xf32, #tpu.memory_space<vmem>>, vector<10000x64xf32>,
    return
  }
  func.func @transform_0(%arg0: i32) -> (i32, i32) {
    %c0_i32 = arith.constant 0 : i32
    %c0_i32_0 = arith.constant 0 : i32
    return %arg0, %c0_i32 : i32, i32
  }
  func.func @transform_1(%arg0: i32) -> (i32, i32) {
    %c0_i32 = arith.constant 0 : i32
    %c0_i32_0 = arith.constant 0 : i32
    %c0_i32_1 = arith.constant 0 : i32
    return %c0_i32, %c0_i32_0 : i32, i32
  }
  func.func @transform_2(%arg0: i32) -> (i32, i32) {
    %c0_i32 = arith.constant 0 : i32
    %c0_i32_0 = arith.constant 0 : i32
    return %arg0, %c0_i32 : i32, i32
  }
}

module attributes {stable_mosaic.version = 14 : i64} {
  func.func @_stage_b_body(%arg0: i32, %arg1: memref<10000x64xf32, #tpu.memory_space<vmem>>, %arg2: memref<1x10000x64xf32, #tpu.memory_space<vmem>>, %arg3: memref<1x10000x64xf32, #tpu.memory_space<vmem>>, %arg4: memref<1x64xf32, #tpu.memory_space<vmem>>, %arg5: memref<64x64xf32, #tpu.memory_space<vmem>>, %arg6: memref<1x64xf32, #tpu.memory_space<vmem>>, %arg7: memref<64x64xf32, #tpu.memory_space<vmem>>, %arg8: memref<10000x64xf32, #tpu.memory_space<vmem>>) attributes {dimension_semantics = [#tpu.dimension_semantics<arbitrary>], iteration_bounds = array<i64: 1>, scalar_prefetch = 0 : i64, scratch_operands = 0 : i64, tpu.core_type = #tpu.core_type<tc>, window_params = [{transform_indices = @transform_0, window_bounds = array<i64: 10000, 64>}, {transform_indices = @transform_1, window_bounds = array<i64: 1, 10000, 64>}, {transform_indices = @transform_2, window_bounds = array<i64: 1, 10000, 64>}, {pipeline_mode = #tpu.pipeline_mode<synchronous>, transform_indices = @transform_3, window_bounds = array<i64: 1, 64>}, {pipeline_mode = #tpu.pipeline_mode<synchronous>, transform_indices = @transform_4, window_bounds = array<i64: 64, 64>}, {pipeline_mode = #tpu.pipeline_mode<synchronous>, transform_indices = @transform_5, window_bounds = array<i64: 1, 64>}, {pipeline_mode = #tpu.pipeline_mode<synchronous>, transform_indices = @transform_6, window_bounds = array<i64: 64, 64>}, {transform_indices = @transform_7, window_bounds = array<i64: 10000, 64>}]} {
    %get3A = arith.constant 0 : index
    %get3A_0 = arith.constant 0 : index
    %get3A_1 = vector.load %arg1[%get3A, %get3A_0] : memref<10000x64xf32, #tpu.memory_space<vmem>>, vector<10000x64xf32>
    %get3A_2 = arith.constant 0 : index
    %get3A_3 = arith.constant 0 : index
    %get3A_4 = arith.constant 0 : index
    %get3A_5 = vector.load %arg2[%get3A_2, %get3A_3, %get3A_4] : memref<1x10000x64xf32, #tpu.memory_space<vmem>>, vector<1x10000x64xf32>
    %get3A_6 = vector.shape_cast %get3A_5 : vector<1x10000x64xf32> to vector<10000x64xf32>
    %add3A = arith.addf %get3A_1, %get3A_6 : vector<10000x64xf32>
    %get3A_7 = arith.constant 0 : index
    %get3A_8 = arith.constant 0 : index
    %get3A_9 = arith.constant 0 : index
    %get3A_10 = vector.load %arg3[%get3A_7, %get3A_8, %get3A_9] : memref<1x10000x64xf32, #tpu.memory_space<vmem>>, vector<1x10000x64xf32>
    %get3A_11 = vector.shape_cast %get3A_10 : vector<1x10000x64xf32> to vector<10000x64xf32>
    %add3A_12 = arith.addf %add3A, %get3A_11 : vector<10000x64xf32>
    %get3A_13 = arith.constant 0 : index
    %get3A_14 = arith.constant 0 : index
    %get3A_15 = vector.load %arg4[%get3A_13, %get3A_14] : memref<1x64xf32, #tpu.memory_space<vmem>>, vector<1x64xf32>
    %add3A_16 = vector.broadcast %get3A_15 : vector<1x64xf32> to vector<10000x64xf32>
    %add3A_17 = arith.addf %add3A_12, %add3A_16 : vector<10000x64xf32>
    %max3A = arith.constant 0.000000e+00 : f32
    %max3A_18 = vector.broadcast %max3A : f32 to vector<10000x64xf32>
    %max3A_19 = arith.maximumf %add3A_17, %max3A_18 : vector<10000x64xf32>
    %get3A_20 = arith.constant 0 : index
    %get3A_21 = arith.constant 0 : index
    %get3A_22 = vector.load %arg5[%get3A_20, %get3A_21] : memref<64x64xf32, #tpu.memory_space<vmem>>, vector<64x64xf32>
    %dot_general3A = arith.constant dense<0.000000e+00> : vector<10000x64xf32>
    %dot_general3A_23 = tpu.matmul %max3A_19, %get3A_22, %dot_general3A {dimension_numbers = #tpu.dot_dimension_numbers<[1], [0], [0], [1], [0, 0, 1, 1], [], []>, transpose_lhs_hint = false} : vector<10000x64xf32>, vector<64x64xf32>, vector<10000x64xf32> -> vector<10000x64xf32>
    %get3A_24 = arith.constant 0 : index
    %get3A_25 = arith.constant 0 : index
    %get3A_26 = vector.load %arg6[%get3A_24, %get3A_25] : memref<1x64xf32, #tpu.memory_space<vmem>>, vector<1x64xf32>
    %add3A_27 = vector.broadcast %get3A_26 : vector<1x64xf32> to vector<10000x64xf32>
    %add3A_28 = arith.addf %dot_general3A_23, %add3A_27 : vector<10000x64xf32>
    %max3A_29 = arith.constant 0.000000e+00 : f32
    %max3A_30 = vector.broadcast %max3A_29 : f32 to vector<10000x64xf32>
    %max3A_31 = arith.maximumf %add3A_28, %max3A_30 : vector<10000x64xf32>
    %get3A_32 = arith.constant 0 : index
    %get3A_33 = arith.constant 0 : index
    %get3A_34 = vector.load %arg7[%get3A_32, %get3A_33] : memref<64x64xf32, #tpu.memory_space<vmem>>, vector<64x64xf32>
    %dot_general3A_35 = arith.constant dense<0.000000e+00> : vector<10000x64xf32>
    %dot_general3A_36 = tpu.matmul %max3A_31, %get3A_34, %dot_general3A_35 {dimension_numbers = #tpu.dot_dimension_numbers<[1], [0], [0], [1], [0, 0, 1, 1], [], []>, transpose_lhs_hint = false} : vector<10000x64xf32>, vector<64x64xf32>, vector<10000x64xf32> -> vector<10000x64xf32>
    %swap3A = arith.constant 0 : index
    %swap3A_37 = arith.constant 0 : index
    %swap3A_38 = vector.load %arg8[%swap3A, %swap3A_37] : memref<10000x64xf32, #tpu.memory_space<vmem>>, vector<10000x64xf32>
    tpu.vector_store %arg8[%swap3A, %swap3A_37], %dot_general3A_36 {strides = array<i32>} : memref<10000x64xf32, #tpu.memory_space<vmem>>, vector<10000x64xf32>,
    return
  }
  func.func @transform_0(%arg0: i32) -> (i32, i32) {
    %c0_i32 = arith.constant 0 : i32
    %c0_i32_0 = arith.constant 0 : i32
    return %arg0, %c0_i32 : i32, i32
  }
  func.func @transform_1(%arg0: i32) -> (i32, i32, i32) {
    %c0_i32 = arith.constant 0 : i32
    %c0_i32_0 = arith.constant 0 : i32
    %c0_i32_1 = arith.constant 0 : i32
    return %c0_i32, %arg0, %c0_i32_0 : i32, i32, i32
  }
  func.func @transform_2(%arg0: i32) -> (i32, i32, i32) {
    %c1_i32 = arith.constant 1 : i32
    %c0_i32 = arith.constant 0 : i32
    %c0_i32_0 = arith.constant 0 : i32
    return %c1_i32, %arg0, %c0_i32 : i32, i32, i32
  }
  func.func @transform_3(%arg0: i32) -> (i32, i32) {
    %c0_i32 = arith.constant 0 : i32
    %c0_i32_0 = arith.constant 0 : i32
    %c0_i32_1 = arith.constant 0 : i32
    return %c0_i32, %c0_i32_0 : i32, i32
  }
  func.func @transform_4(%arg0: i32) -> (i32, i32) {
    %c0_i32 = arith.constant 0 : i32
    %c0_i32_0 = arith.constant 0 : i32
    %c0_i32_1 = arith.constant 0 : i32
    return %c0_i32, %c0_i32_0 : i32, i32
  }
  func.func @transform_5(%arg0: i32) -> (i32, i32) {
    %c0_i32 = arith.constant 0 : i32
    %c0_i32_0 = arith.constant 0 : i32
    %c0_i32_1 = arith.constant 0 : i32
    return %c0_i32, %c0_i32_0 : i32, i32
  }
  func.func @transform_6(%arg0: i32) -> (i32, i32) {
    %c0_i32 = arith.constant 0 : i32
    %c0_i32_0 = arith.constant 0 : i32
    %c0_i32_1 = arith.constant 0 : i32
    return %c0_i32, %c0_i32_0 : i32, i32
  }
  func.func @transform_7(%arg0: i32) -> (i32, i32) {
    %c0_i32 = arith.constant 0 : i32
    %c0_i32_0 = arith.constant 0 : i32
    return %arg0, %c0_i32 : i32, i32
  }
}

module attributes {stable_mosaic.version = 14 : i64} {
  func.func @_stage_c_body(%arg0: i32, %arg1: memref<10000x64xf32, #tpu.memory_space<vmem>>, %arg2: memref<1x10000x64xf32, #tpu.memory_space<vmem>>, %arg3: memref<1x10000x64xf32, #tpu.memory_space<vmem>>, %arg4: memref<1x64xf32, #tpu.memory_space<vmem>>, %arg5: memref<64x64xf32, #tpu.memory_space<vmem>>, %arg6: memref<1x64xf32, #tpu.memory_space<vmem>>, %arg7: memref<64x64xf32, #tpu.memory_space<vmem>>, %arg8: memref<1x64xf32, #tpu.memory_space<vmem>>, %arg9: memref<10000x64xf32, #tpu.memory_space<vmem>>) attributes {dimension_semantics = [#tpu.dimension_semantics<arbitrary>], iteration_bounds = array<i64: 1>, scalar_prefetch = 0 : i64, scratch_operands = 0 : i64, tpu.core_type = #tpu.core_type<tc>, window_params = [{transform_indices = @transform_0, window_bounds = array<i64: 10000, 64>}, {transform_indices = @transform_1, window_bounds = array<i64: 1, 10000, 64>}, {transform_indices = @transform_2, window_bounds = array<i64: 1, 10000, 64>}, {pipeline_mode = #tpu.pipeline_mode<synchronous>, transform_indices = @transform_3, window_bounds = array<i64: 1, 64>}, {pipeline_mode = #tpu.pipeline_mode<synchronous>, transform_indices = @transform_4, window_bounds = array<i64: 64, 64>}, {pipeline_mode = #tpu.pipeline_mode<synchronous>, transform_indices = @transform_5, window_bounds = array<i64: 1, 64>}, {pipeline_mode = #tpu.pipeline_mode<synchronous>, transform_indices = @transform_6, window_bounds = array<i64: 64, 64>}, {pipeline_mode = #tpu.pipeline_mode<synchronous>, transform_indices = @transform_7, window_bounds = array<i64: 1, 64>}, {transform_indices = @transform_8, window_bounds = array<i64: 10000, 64>}]} {
    %get3A = arith.constant 0 : index
    %get3A_0 = arith.constant 0 : index
    %get3A_1 = vector.load %arg1[%get3A, %get3A_0] : memref<10000x64xf32, #tpu.memory_space<vmem>>, vector<10000x64xf32>
    %get3A_2 = arith.constant 0 : index
    %get3A_3 = arith.constant 0 : index
    %get3A_4 = arith.constant 0 : index
    %get3A_5 = vector.load %arg2[%get3A_2, %get3A_3, %get3A_4] : memref<1x10000x64xf32, #tpu.memory_space<vmem>>, vector<1x10000x64xf32>
    %get3A_6 = vector.shape_cast %get3A_5 : vector<1x10000x64xf32> to vector<10000x64xf32>
    %add3A = arith.addf %get3A_1, %get3A_6 : vector<10000x64xf32>
    %get3A_7 = arith.constant 0 : index
    %get3A_8 = arith.constant 0 : index
    %get3A_9 = arith.constant 0 : index
    %get3A_10 = vector.load %arg3[%get3A_7, %get3A_8, %get3A_9] : memref<1x10000x64xf32, #tpu.memory_space<vmem>>, vector<1x10000x64xf32>
    %get3A_11 = vector.shape_cast %get3A_10 : vector<1x10000x64xf32> to vector<10000x64xf32>
    %add3A_12 = arith.addf %add3A, %get3A_11 : vector<10000x64xf32>
    %get3A_13 = arith.constant 0 : index
    %get3A_14 = arith.constant 0 : index
    %get3A_15 = vector.load %arg4[%get3A_13, %get3A_14] : memref<1x64xf32, #tpu.memory_space<vmem>>, vector<1x64xf32>
    %add3A_16 = vector.broadcast %get3A_15 : vector<1x64xf32> to vector<10000x64xf32>
    %add3A_17 = arith.addf %add3A_12, %add3A_16 : vector<10000x64xf32>
    %max3A = arith.constant 0.000000e+00 : f32
    %max3A_18 = vector.broadcast %max3A : f32 to vector<10000x64xf32>
    %max3A_19 = arith.maximumf %add3A_17, %max3A_18 : vector<10000x64xf32>
    %get3A_20 = arith.constant 0 : index
    %get3A_21 = arith.constant 0 : index
    %get3A_22 = vector.load %arg5[%get3A_20, %get3A_21] : memref<64x64xf32, #tpu.memory_space<vmem>>, vector<64x64xf32>
    %dot_general3A = arith.constant dense<0.000000e+00> : vector<10000x64xf32>
    %dot_general3A_23 = tpu.matmul %max3A_19, %get3A_22, %dot_general3A {dimension_numbers = #tpu.dot_dimension_numbers<[1], [0], [0], [1], [0, 0, 1, 1], [], []>, transpose_lhs_hint = false} : vector<10000x64xf32>, vector<64x64xf32>, vector<10000x64xf32> -> vector<10000x64xf32>
    %get3A_24 = arith.constant 0 : index
    %get3A_25 = arith.constant 0 : index
    %get3A_26 = vector.load %arg6[%get3A_24, %get3A_25] : memref<1x64xf32, #tpu.memory_space<vmem>>, vector<1x64xf32>
    %add3A_27 = vector.broadcast %get3A_26 : vector<1x64xf32> to vector<10000x64xf32>
    %add3A_28 = arith.addf %dot_general3A_23, %add3A_27 : vector<10000x64xf32>
    %get3A_29 = arith.constant 0 : index
    %get3A_30 = arith.constant 0 : index
    %get3A_31 = vector.load %arg7[%get3A_29, %get3A_30] : memref<64x64xf32, #tpu.memory_space<vmem>>, vector<64x64xf32>
    %dot_general3A_32 = arith.constant dense<0.000000e+00> : vector<10000x64xf32>
    %dot_general3A_33 = tpu.matmul %add3A_28, %get3A_31, %dot_general3A_32 {dimension_numbers = #tpu.dot_dimension_numbers<[1], [0], [0], [1], [0, 0, 1, 1], [], []>, transpose_lhs_hint = false} : vector<10000x64xf32>, vector<64x64xf32>, vector<10000x64xf32> -> vector<10000x64xf32>
    %get3A_34 = arith.constant 0 : index
    %get3A_35 = arith.constant 0 : index
    %get3A_36 = vector.load %arg8[%get3A_34, %get3A_35] : memref<1x64xf32, #tpu.memory_space<vmem>>, vector<1x64xf32>
    %add3A_37 = vector.broadcast %get3A_36 : vector<1x64xf32> to vector<10000x64xf32>
    %add3A_38 = arith.addf %dot_general3A_33, %add3A_37 : vector<10000x64xf32>
    %reduce_max3A = arith.constant dense<0xFF800000> : vector<10000xf32>
    %reduce_max3A_39 = vector.multi_reduction <maximumf>, %add3A_38, %reduce_max3A [1] : vector<10000x64xf32> to vector<10000xf32>
    %broadcast_in_dim3A = vector.shape_cast %reduce_max3A_39 : vector<10000xf32> to vector<10000x1xf32>
    %sub3A = vector.broadcast %broadcast_in_dim3A : vector<10000x1xf32> to vector<10000x64xf32>
    %sub3A_40 = arith.subf %add3A_38, %sub3A : vector<10000x64xf32>
    %exp3A = math.exp %sub3A_40 : vector<10000x64xf32>
    %reduce_sum3A = arith.constant dense<0.000000e+00> : vector<10000xf32>
    %reduce_sum3A_41 = vector.multi_reduction <add>, %exp3A, %reduce_sum3A [1] : vector<10000x64xf32> to vector<10000xf32>
    %broadcast_in_dim3A_42 = vector.shape_cast %reduce_sum3A_41 : vector<10000xf32> to vector<10000x1xf32>
    %log3A = math.log %broadcast_in_dim3A_42 : vector<10000x1xf32>
    %add3A_43 = arith.addf %log3A, %broadcast_in_dim3A : vector<10000x1xf32>
    %sub3A_44 = vector.broadcast %add3A_43 : vector<10000x1xf32> to vector<10000x64xf32>
    %sub3A_45 = arith.subf %add3A_38, %sub3A_44 : vector<10000x64xf32>
    %swap3A = arith.constant 0 : index
    %swap3A_46 = arith.constant 0 : index
    %swap3A_47 = vector.load %arg9[%swap3A, %swap3A_46] : memref<10000x64xf32, #tpu.memory_space<vmem>>, vector<10000x64xf32>
    tpu.vector_store %arg9[%swap3A, %swap3A_46], %sub3A_45 {strides = array<i32>} : memref<10000x64xf32, #tpu.memory_space<vmem>>, vector<10000x64xf32>,
    return
  }
  func.func @transform_0(%arg0: i32) -> (i32, i32) {
    %c0_i32 = arith.constant 0 : i32
    %c0_i32_0 = arith.constant 0 : i32
    return %arg0, %c0_i32 : i32, i32
  }
  func.func @transform_1(%arg0: i32) -> (i32, i32, i32) {
    %c0_i32 = arith.constant 0 : i32
    %c0_i32_0 = arith.constant 0 : i32
    %c0_i32_1 = arith.constant 0 : i32
    return %c0_i32, %arg0, %c0_i32_0 : i32, i32, i32
  }
  func.func @transform_2(%arg0: i32) -> (i32, i32, i32) {
    %c1_i32 = arith.constant 1 : i32
    %c0_i32 = arith.constant 0 : i32
    %c0_i32_0 = arith.constant 0 : i32
    return %c1_i32, %arg0, %c0_i32 : i32, i32, i32
  }
  func.func @transform_3(%arg0: i32) -> (i32, i32) {
    %c0_i32 = arith.constant 0 : i32
    %c0_i32_0 = arith.constant 0 : i32
    %c0_i32_1 = arith.constant 0 : i32
    return %c0_i32, %c0_i32_0 : i32, i32
  }
  func.func @transform_4(%arg0: i32) -> (i32, i32) {
    %c0_i32 = arith.constant 0 : i32
    %c0_i32_0 = arith.constant 0 : i32
    %c0_i32_1 = arith.constant 0 : i32
    return %c0_i32, %c0_i32_0 : i32, i32
  }
  func.func @transform_5(%arg0: i32) -> (i32, i32) {
    %c0_i32 = arith.constant 0 : i32
    %c0_i32_0 = arith.constant 0 : i32
    %c0_i32_1 = arith.constant 0 : i32
    return %c0_i32, %c0_i32_0 : i32, i32
  }
  func.func @transform_6(%arg0: i32) -> (i32, i32) {
    %c0_i32 = arith.constant 0 : i32
    %c0_i32_0 = arith.constant 0 : i32
    %c0_i32_1 = arith.constant 0 : i32
    return %c0_i32, %c0_i32_0 : i32, i32
  }
  func.func @transform_7(%arg0: i32) -> (i32, i32) {
    %c0_i32 = arith.constant 0 : i32
    %c0_i32_0 = arith.constant 0 : i32
    %c0_i32_1 = arith.constant 0 : i32
    return %c0_i32, %c0_i32_0 : i32, i32
  }
  func.func @transform_8(%arg0: i32) -> (i32, i32) {
    %c0_i32 = arith.constant 0 : i32
    %c0_i32_0 = arith.constant 0 : i32
    return %arg0, %c0_i32 : i32, i32
  }
}

</mosaic_0001>

<sc_bundles>
// kernel: kernel.10.cloned.1.call-start
scs
__scs_entry_jumppad:
0x0: {  	(pc) =	sbr.rel $0x88, $3  }
0x1: {  	(tag) =	ssettag $0x0;
	lr =	simm.s32 $0x1  }
0x2: {  	[smem:$0x3F95] =	sst lr;
	_ =	strace $0xD0000000  }
0x3: {  	_ = 	snop  }
0x4: {  	_ = 	snop  }
0x5: {  	_ = 	snop  }
0x6: {  	_ = 	snop  }
0x7: {  	_ = 	snop  }
__scs_overlays_trampoline_lowered:
0x8: {  	[smem:$0x3FA4] =	sst s0  }
0x9: {  	[smem:$0x3FA5] =	sst s1  }
0xa: {  	[smem:$0x3FA6] =	sst s2  }
0xb: {  	[smem:$0x3FA7] =	sst s3  }
0xc: {  	[smem:$0x3FA8] =	sst s4  }
0xd: {  	[smem:$0x3FA9] =	sst s5  }
0xe: {  	[smem:$0x3FAA] =	sst s6  }
0xf: {  	[smem:$0x3FAB] =	sst s7  }
0x10: {  	[smem:$0x3FAC] =	sst s8  }
0x11: {  	[smem:$0x3FAD] =	sst s9;
	s0 =	simm.s32 @!p0 $0x0  }
0x12: {  	s1 =	sld [smem:$0x3F93];
	s0 =	simm.s32 @p0 $0x1  }
0x13: {  	[smem:$0x3FAE] =	sst s0;
	s0 =	simm.s32 @!p1 $0x0  }
0x14: {  	s2 =	sld [smem:$0x3F92];
	s0 =	simm.s32 @p1 $0x1  }
0x15: {  	[smem:$0x3FAF] =	sst s0;
	s0 =	simm.s32 @!p2 $0x0  }
0x16: {  	s3 =	sld [smem:$0x3FDB];
	s0 =	simm.s32 @p2 $0x1  }
0x17: {  	s4 =	simm.s32 $0x1BF5;
	[smem:$0x3FB1] =	sst s0  }
0x18: {  	s0 =	sld [smem:$0x3F94];
	_ =	swait.ge [sflag:s4], $0x0  }
0x19: {  	s7 =	sld [smem:$0x3F95]  }
0x1a: {  	s8 =	sadd.s32 $0xFFFFE003, lr  }
0x1b: {  	s9 =	sadd.s32 $0xFFFFFEF7, lr;
	s5 =	simm.s32 $0xFFFFFFFF;
	p2 =	slt.u32 s8, $0xFFFFF086  }
0x1c: {  	p1 =	slt.u32 s9, $0xF7A;
	s5 =	simm.s32 @!p2 $0x0  }
0x1d: {  	s5 =	simm.s32 @p1 $0x1;
	p0 =	seq.s32 s7, s2  }
0x1e: {  	s7 =	smul.u32 @!p0 $0xF7A, s2;
	p2 =	seq.s32 @!p0 s5, $0x0  }
0x1f: {  	s9 =	smul.u32 $0xF7A, s1;
	s8 =	simm.s32 @!p0 $0x1BF5;
	p2 =	por !p2, p0  }
0x20: {  	[sflag:s8] =	ssyncset.s32 @!p0 $0xFFFFF086;
	s6 =	sadd.s32 @!p0 s3, s7;
	s7 =	simm.s32 @!p0 $0x108  }
0x21: {  	s3 =	sadd.s32 s3, s9;
	s6 =	sadd.s32 @!p0 $0x88, s6;
	s7 =	simm.s32 @p2 $0x1082  }
0x22: {  	[simem:s7], [sflag:s8] =	dma.local @!p0 [hbm:s6], $0xF7A  }
0x23: {  	s9 =	sor.u32 $0xD0000000, s2;
	s6 =	simm.s32 $0x108;
	_ =	swait.ge @!p0 [sflag:s8], $0x0  }
0x24: {  	s3 =	sadd.s32 $0x88, s3;
	s6 =	simm.s32 @!p1 $0x1082;
	[sflag:s4] =	ssyncset.s32 $0xFFFFF086  }
0x25: {  	[simem:s6], [sflag:s4] =	dma.local [hbm:s3], $0xF7A  }
0x26: {  	[smem:$0x3F95] =	sst s1;
	(tag) =	ssettag s2;
	_ =	strace s9  }
0x27: {  	s1 =	sld [smem:$0x3FA5]  }
0x28: {  	s2 =	sld [smem:$0x3FA6]  }
0x29: {  	s4 =	sld [smem:$0x3FA8]  }
0x2a: {  	p0 =	seq.s32 s5, $0x0;
	s5 =	sld [smem:$0x3FA9]  }
0x2b: {  	s6 =	sld [smem:$0x3FAA]  }
0x2c: {  	s7 =	sld [smem:$0x3FAB]  }
0x2d: {  	s3 =	simm.s32 $0x108;
	s8 =	sld [smem:$0x3FAC]  }
0x2e: {  	s3 =	simm.s32 @!p0 $0x1082;
	s9 =	sld [smem:$0x3FAD]  }
0x2f: {  	lr =	sadd.s32 s0, s3;
	s0 =	sld [smem:$0x3FA4]  }
0x30: {  	s3 =	sld [smem:$0x3FA7]  }
0x31: {  	[smem:$0x3FB0] =	sst s10  }
0x32: {  	s10 =	sld [smem:$0x3FAE];
	_ =	sdelay $0x3  }
0x33: {  	p0 =	seq.s32 s10, $0x1;
	s10 =	sld [smem:$0x3FB0];
	_ =	sdelay $0x3  }
0x34: {  	[smem:$0x3FB0] =	sst s10  }
0x35: {  	s10 =	sld [smem:$0x3FAF];
	_ =	sdelay $0x3  }
0x36: {  	p1 =	seq.s32 s10, $0x1;
	s10 =	sld [smem:$0x3FB0];
	_ =	sdelay $0x3  }
0x37: {  	[smem:$0x3FB0] =	sst s10  }
0x38: {  	s10 =	sld [smem:$0x3FB1]  }
0x39: {  	_ = 	snop;
	(pc) =	sbr.ind lr, $3  }
0x3a: {  	_ = 	snop  }
0x3b: {  	_ = 	snop  }
0x3c: {  	p2 =	seq.s32 s10, $0x1;
	s10 =	sld [smem:$0x3FB0]  }
0x3d: {  	_ =	shalt  }
0x3e: {  	_ =	shalt  }
0x3f: {  	_ =	shalt  }
0x40: {  	_ =	shalt  }
0x41: {  	_ =	shalt  }
0x42: {  	_ =	shalt  }
0x43: {  	_ =	shalt  }
0x44: {  	_ =	shalt  }
0x45: {  	_ =	shalt  }
0x46: {  	_ =	shalt  }
0x47: {  	_ =	shalt  }
0x48: {  	_ =	shalt  }
0x49: {  	_ =	shalt  }
0x4a: {  	_ =	shalt  }
0x4b: {  	_ =	shalt  }
0x4c: {  	_ =	shalt  }
0x4d: {  	_ =	shalt  }
0x4e: {  	_ =	shalt  }
0x4f: {  	_ =	shalt  }
0x50: {  	_ =	shalt  }
0x51: {  	_ =	shalt  }
0x52: {  	_ =	shalt  }
0x53: {  	_ =	shalt  }
0x54: {  	_ =	shalt  }
0x55: {  	_ =	shalt  }
0x56: {  	_ =	shalt  }
0x57: {  	_ =	shalt  }
0x58: {  	_ =	shalt  }
0x59: {  	_ =	shalt  }
0x5a: {  	_ =	shalt  }
0x5b: {  	_ =	shalt  }
0x5c: {  	_ =	shalt  }
0x5d: {  	_ =	shalt  }
0x5e: {  	_ =	shalt  }
0x5f: {  	_ =	shalt  }
0x60: {  	_ =	shalt  }
0x61: {  	_ =	shalt  }
0x62: {  	_ =	shalt  }
0x63: {  	_ =	shalt  }
0x64: {  	_ =	shalt  }
0x65: {  	_ =	shalt  }
0x66: {  	_ =	shalt  }
0x67: {  	_ =	shalt  }
0x68: {  	_ =	shalt  }
0x69: {  	_ =	shalt  }
0x6a: {  	_ =	shalt  }
0x6b: {  	_ =	shalt  }
0x6c: {  	_ =	shalt  }
0x6d: {  	_ =	shalt  }
0x6e: {  	_ =	shalt  }
0x6f: {  	_ =	shalt  }
0x70: {  	_ =	shalt  }
0x71: {  	_ =	shalt  }
0x72: {  	_ =	shalt  }
0x73: {  	_ =	shalt  }
0x74: {  	_ =	shalt  }
0x75: {  	_ =	shalt  }
0x76: {  	_ =	shalt  }
0x77: {  	_ =	shalt  }
0x78: {  	_ =	shalt  }
0x79: {  	_ =	shalt  }
0x7a: {  	_ =	shalt  }
0x7b: {  	_ =	shalt  }
0x7c: {  	_ =	shalt  }
0x7d: {  	_ =	shalt  }
0x7e: {  	_ =	shalt  }
0x7f: {  	_ =	shalt  }
0x80: {  	_ =	shalt  }
0x81: {  	_ =	shalt  }
0x82: {  	_ =	shalt  }
0x83: {  	_ =	shalt  }
0x84: {  	_ =	shalt  }
0x85: {  	_ =	shalt  }
0x86: {  	_ =	shalt  }
0x87: {  	_ =	shalt  }
.Lfunc_end0:
.L_simem_size_0:
called_computation.1_lowered:
.L_overlay_start_0:
0x88: {  	s2 =	sld [smem:$0x3FD9]  }
0x89: {  	s3 =	sld [smem:$0x3FFE];
	_ =	sdelay $0x1  }
0x8a: {  	s1 =	srdreg.scid  }
0x8b: {  	s0 =	sand.u32 $0x1, s1  }
0x8c: {  	s17 =	sshll.u32 s0, $0xA;
	s2 =	sadd.s32 s3, s2  }
0x8d: {  	s2 =	sadd.s32 s2, s17  }
0x8e: {  	[smem:$0x3FBC] =	sst s2  }
0x8f: {  	_ = 	snop  }
0x90: {  	s2 =	sld [smem:$0x3FD0];
	(tm) =	ssettm $0x1  }
0x91: {  	s18 =	sld [smem:$0x3FFB];
	_ =	sdelay $0x3  }
0x92: {  	_ =	strace s18  }
0x93: {  	s3 =	sld [smem:$0x3FFC];
	_ =	sdelay $0x3  }
0x94: {  	_ =	strace s3  }
0x95: {  	s3 =	sld [smem:$0x3FFD];
	_ =	sdelay $0x3  }
0x96: {  	_ =	strace s3  }
0x97: {  	_ =	strace $0x8FFFFFFF  }
0x98: {  	s19 =	sld [smem:$0x3FDB];
	_ =	sdelay $0x1  }
0x99: {  	s4 =	simm.s32 $_scs_section_size  }
0x9a: {  	s5 =	simm.s32 $_size__tile_overlayer_lowered;
	s6 =	simm.s32 $_tile_overlayer_lowered  }
0x9b: {  	s22 =	simm.s32 $0x1BFF;
	s21 =	sshll.u32 s6, $0x1;
	s3 =	sadd.s32 s4, s19  }
0x9c: {  	s7 =	simm.s32 $0x0;
	s20 =	sshll.u32 s5, $0x1;
	s5 =	sadd.s32 s21, s3  }
0x9d: {  	[timem:s7], [sflag:s22] =	dma.local [hbm:s5], s20  }
0x9e: {  	_ =	swait.ge [sflag:s22], s20  }
0x9f: {  	s4 =	ssub.s32 $0x0, s20;
	[sflag:s22] =	ssyncset.done $0x0  }
0xa0: {  	[sflag:s22] =	ssyncadd.s32 s4;
	_ =	sdelay $0x1  }
0xa1: {  	s23 =	simm.s32 $0x1B8B  }
0xa2: {  	_ =	swait.ge [sflag:s23], $0x1  }
0xa3: {  	[sflag:s23] =	ssyncset.done $0x0  }
0xa4: {  	s25 =	simm.s32 $0x1B8E;
	s24 =	sld [smem:$0x3FFE];
	[sflag:s23] =	ssyncadd.s32 $0xFFFFFFFF  }
0xa5: {  	s26 =	simm.s32 $execute0_lowered;
	[smem:$0x3FD2] =	sst s25  }
0xa6: {  	s5 =	sshll.u32 s26, $0x1;
	_ =	strace $0x80000049;
	[dreg:$0x1] =	wrdreg $0xFFFFFFFF  }
0xa7: {  	s28 =	simm.s32 $_size_execute0_lowered;
	s3 =	sadd.s32 s3, s5;
	[dreg:$0x0] =	wrdreg $0x0  }
0xa8: {  	s5 =	sshll.u32 s28, $0x1;
	[dreg:$0x2] =	wrdreg s3  }
0xa9: {  	[dreg:$0x3] =	wrdreg s5  }
0xaa: {  	[dreg:$0x4] =	wrdreg $0xC0  }
0xab: {  	_ =	task [dreg:s7], $0x5FFFF  }
0xac: {  	[dreg:$0x1] =	wrdreg $0xFFFFFFFF  }
0xad: {  	[dreg:$0x0] =	wrdreg $0x60  }
0xae: {  	[dreg:$0x2] =	wrdreg s24  }
0xaf: {  	[dreg:$0x3] =	wrdreg s2  }
0xb0: {  	[dreg:$0x4] =	wrdreg $0x148200  }
0xb1: {  	[dreg:$0x5] =	wrdreg $0x9  }
0xb2: {  	_ =	task.clear_ibuf [dreg:s7], $0x6FFFF;
	_ =	strace $0x90000049  }
0xb3: {  	s29 =	simm.s32 $0x9;
	_ =	strace $0x8000004B  }
0xb4: {  	_ =	swait.ge [sflag:s29], $0x1  }
0xb5: {  	[sflag:s29] =	ssyncadd.s32 $0xFFFFFFFF  }
0xb6: {  	_ =	strace $0x9000004B  }
0xb7: {  	_ =	sfence  }
0xb8: {  	s30 =	sld [smem:$0x0];
	_ =	sdelay $0x2  }
0xb9: {  	s31 =	sshll.u32 s1, $0xD;
	s1 =	sshrl.u32 s1, $0x2  }
0xba: {  	s3 =	sand.u32 $0x4000, s31;
	s1 =	sadd.s32 s1, s30  }
0xbb: {  	s0 =	sor.u32 s3, s0;
	s1 =	sshll.u32 s1, $0x11  }
0xbc: {  	s0 =	sor.u32 s1, s0  }
0xbd: {  	s0 =	sadd.s32 $0x8F2B, s0  }
0xbe: {  	[sflag:s0] =	ssyncadd.remote.s32 $0x1  }
0xbf: {  	_ =	sfence.sel $0xFFFF  }
0xc0: {  	[dreg:$0x0] =	wrdreg $0xFFFFFFFF;
	(pc) =	sbr.abs _section_cstart, $3  }
0xc1: {  	[dreg:$0x1] =	wrdreg $0xFFFFFFFF  }
0xc2: {  	_ =	task.clear_ibuf [dreg:s7], $0x2FFFF;
	_ =	strace $0x9FFFFFFF  }
0xc3: {  	(tm) =	ssettm $0x7FFFFFFF  }
tec
execute0_lowered:
.L_overlay_start_1:
0x0: {  	(tag) =	ssettag $0x1  }
0x1: {  	s12 =	rddreg [dreg:$0x0]  }
0x2: {  	s0 =	rddreg [dreg:$0x1];
	s6 =	stileid.u32  }
0x3: {  	s2 =	rddreg [dreg:$0x2];
	s3 =	simm.s32 $0x0;
	s5 =	srdreg.scid  }
0x4: {  	s31 =	smul.u32 $0x9E00, s6;
	[smem:$0x7FF] =	sst s3  }
0x5: {  	s1 =	sand.u32 $0x1, s5;
	s25 =	sshll.u32 s6, $0x6;
	s8 =	smul.u32 $0x2710, s6  }
0x6: {  	s5 =	simm.s32 $0x1;
	_ =	strace $0x8000004A;
	s4 =	sshrl.u32 s31, $0x3  }
0x7: {  	p0 =	seq.s32 s1, $0x1;
	s26 =	sadd.s32 s31, s2;
	s4 =	sadd.s32 s0, s4  }
0x8: {  	s9 =	sadd.s32 $0x27100, s8;
	s10 =	smov.u32 s8;
	[dreg:$0x4] =	wrdreg s4  }
0x9: {  	s6 =	sshrl.u32 s26, $0x3;
	s4 =	sor.u32 $0x1C01, s25;
	s7 =	rddreg [dreg:$0x4]  }
0xa: {  	[spmem:s6], [sflag:s4] =	dma.local [hbm:s7], $0x13C0  }
0xb: {  	s11 =	sadd.s32 $0x1C00, s12;
	s10 =	smov.u32 @p0 s9;
	_ =	swait.ge [sflag:s5], $0x13C0  }
0xc: {  	s9 =	simm.s32 $0x75300;
	s0 =	sshrl.u32 s10, $0x3;
	[sflag:s5] =	ssyncset.done $0x0  }
0xd: {  	s9 =	simm.s32 @!p0 $0x4E200;
	s7 =	sadd.s32 s11, s0;
	[sflag:s5] =	ssyncadd.s32 $0xFFFFEC40  }
0xe: {  	[tilespmem:s3], [sflag:$0x1] =	stream.linear.gather [hbm4b:s7+s3], $0x2710, $0x38;
	[tilespmem:$0x1E620] =	vst v63  }
0xf: {  	s8 =	sadd.s32 s9, s8;
	_ =	swait.ge [sflag:s5], $0x2710  }
0x10: {  	s8 =	sshrl.u32 s8, $0x3;
	[sflag:s5] =	ssyncset.done $0x0  }
0x11: {  	s9 =	simm.s32 $0x2710;
	s8 =	sadd.s32 s11, s8;
	[sflag:s5] =	ssyncadd.s32 $0xFFFFD8F0  }
0x12: {  	[tilespmem:s9], [sflag:$0x1] =	stream.linear.gather [hbm4b:s8+s3], $0x2710, $0x38;
	[tilespmem:$0x1E620] =	vst v63  }
0x13: {  	_ =	swait.ge [sflag:s5], $0x2710  }
0x14: {  	[sflag:s5] =	ssyncset.done $0x0  }
0x15: {  	s10 =	sadd.s32 $0x15600, s12;
	[sflag:s5] =	ssyncadd.s32 $0xFFFFD8F0  }
0x16: {  	s12 =	simm.s32 $0x4E20;
	s11 =	simm.s32 $0x3E8;
	[bflag:$0x0] =	sbarrier.arrive $0xFFFF  }
0x17: {  	[tilespmem:s12], [sflag:$0x1] =	stream.indirect.gather [hbm4b:s10+s11], $0x40, s3, s11, $0xb8;
	[tilespmem:$0x1E620] =	vst v63  }
0x18: {  	_ =	swait.ge [sflag:s5], $0xFA00  }
0x19: {  	[sflag:s5] =	ssyncset.done $0x0  }
0x1a: {  	[sflag:s5] =	ssyncadd.s32 $0xFFFF0600  }
0x1b: {  	[spmem:s2] =	stream.indirect.scatter.add.f32 [tilespmem:s12], [sflag:$0x1], $0x40, s9, s11, $0xb8;
	[tilespmem:$0x1E620] =	vst v63  }
0x1c: {  	_ =	swait.ge [sflag:s5], $0xFA00  }
0x1d: {  	[sflag:s5] =	ssyncset.done $0x0  }
0x1e: {  	[sflag:s5] =	ssyncadd.s32 $0xFFFF0600  }
0x1f: {  	[tilespmem:s12], [sflag:$0x1] =	stream.indirect.gather [hbm4b:s10+s11], $0x40, s11, s11, $0xb8;
	[tilespmem:$0x1E620] =	vst v63  }
0x20: {  	_ =	swait.ge [sflag:s5], $0xFA00  }
0x21: {  	[sflag:s5] =	ssyncset.done $0x0  }
0x22: {  	s13 =	simm.s32 $0x2AF8;
	[sflag:s5] =	ssyncadd.s32 $0xFFFF0600  }
0x23: {  	[spmem:s2] =	stream.indirect.scatter.add.f32 [tilespmem:s12], [sflag:$0x1], $0x40, s13, s11, $0xb8;
	[tilespmem:$0x1E620] =	vst v63  }
0x24: {  	_ =	swait.ge [sflag:s5], $0xFA00  }
0x25: {  	[sflag:s5] =	ssyncset.done $0x0  }
0x26: {  	s14 =	simm.s32 $0x7D0;
	[sflag:s5] =	ssyncadd.s32 $0xFFFF0600  }
0x27: {  	[tilespmem:s12], [sflag:$0x1] =	stream.indirect.gather [hbm4b:s10+s11], $0x40, s14, s11, $0xb8;
	[tilespmem:$0x1E620] =	vst v63  }
0x28: {  	_ =	swait.ge [sflag:s5], $0xFA00  }
0x29: {  	[sflag:s5] =	ssyncset.done $0x0  }
0x2a: {  	s15 =	simm.s32 $0x2EE0;
	[sflag:s5] =	ssyncadd.s32 $0xFFFF0600  }
0x2b: {  	[spmem:s2] =	stream.indirect.scatter.add.f32 [tilespmem:s12], [sflag:$0x1], $0x40, s15, s11, $0xb8;
	[tilespmem:$0x1E620] =	vst v63  }
0x2c: {  	_ =	swait.ge [sflag:s5], $0xFA00  }
0x2d: {  	[sflag:s5] =	ssyncset.done $0x0  }
0x2e: {  	s16 =	simm.s32 $0xBB8;
	[sflag:s5] =	ssyncadd.s32 $0xFFFF0600  }
0x2f: {  	[tilespmem:s12], [sflag:$0x1] =	stream.indirect.gather [hbm4b:s10+s11], $0x40, s16, s11, $0xb8;
	[tilespmem:$0x1E620] =	vst v63  }
0x30: {  	_ =	swait.ge [sflag:s5], $0xFA00  }
0x31: {  	[sflag:s5] =	ssyncset.done $0x0  }
0x32: {  	s17 =	simm.s32 $0x32C8;
	[sflag:s5] =	ssyncadd.s32 $0xFFFF0600  }
0x33: {  	[spmem:s2] =	stream.indirect.scatter.add.f32 [tilespmem:s12], [sflag:$0x1], $0x40, s17, s11, $0xb8;
	[tilespmem:$0x1E620] =	vst v63  }
0x34: {  	_ =	swait.ge [sflag:s5], $0xFA00  }
0x35: {  	[sflag:s5] =	ssyncset.done $0x0  }
0x36: {  	s18 =	simm.s32 $0xFA0;
	[sflag:s5] =	ssyncadd.s32 $0xFFFF0600  }
0x37: {  	[tilespmem:s12], [sflag:$0x1] =	stream.indirect.gather [hbm4b:s10+s11], $0x40, s18, s11, $0xb8;
	[tilespmem:$0x1E620] =	vst v63  }
0x38: {  	_ =	swait.ge [sflag:s5], $0xFA00  }
0x39: {  	[sflag:s5] =	ssyncset.done $0x0  }
0x3a: {  	s19 =	simm.s32 $0x36B0;
	[sflag:s5] =	ssyncadd.s32 $0xFFFF0600  }
0x3b: {  	[spmem:s2] =	stream.indirect.scatter.add.f32 [tilespmem:s12], [sflag:$0x1], $0x40, s19, s11, $0xb8;
	[tilespmem:$0x1E620] =	vst v63  }
0x3c: {  	_ =	swait.ge [sflag:s5], $0xFA00  }
0x3d: {  	[sflag:s5] =	ssyncset.done $0x0  }
0x3e: {  	s20 =	simm.s32 $0x1388;
	[sflag:s5] =	ssyncadd.s32 $0xFFFF0600  }
0x3f: {  	[tilespmem:s12], [sflag:$0x1] =	stream.indirect.gather [hbm4b:s10+s11], $0x40, s20, s11, $0xb8;
	[tilespmem:$0x1E620] =	vst v63  }
0x40: {  	_ =	swait.ge [sflag:s5], $0xFA00  }
0x41: {  	[sflag:s5] =	ssyncset.done $0x0  }
0x42: {  	s21 =	simm.s32 $0x3A98;
	[sflag:s5] =	ssyncadd.s32 $0xFFFF0600  }
0x43: {  	[spmem:s2] =	stream.indirect.scatter.add.f32 [tilespmem:s12], [sflag:$0x1], $0x40, s21, s11, $0xb8;
	[tilespmem:$0x1E620] =	vst v63  }
0x44: {  	_ =	swait.ge [sflag:s5], $0xFA00  }
0x45: {  	[sflag:s5] =	ssyncset.done $0x0  }
0x46: {  	s22 =	simm.s32 $0x1770;
	[sflag:s5] =	ssyncadd.s32 $0xFFFF0600  }
0x47: {  	[tilespmem:s12], [sflag:$0x1] =	stream.indirect.gather [hbm4b:s10+s11], $0x40, s22, s11, $0xb8;
	[tilespmem:$0x1E620] =	vst v63  }
0x48: {  	_ =	swait.ge [sflag:s5], $0xFA00  }
0x49: {  	[sflag:s5] =	ssyncset.done $0x0  }
0x4a: {  	s23 =	simm.s32 $0x3E80;
	[sflag:s5] =	ssyncadd.s32 $0xFFFF0600  }
0x4b: {  	[spmem:s2] =	stream.indirect.scatter.add.f32 [tilespmem:s12], [sflag:$0x1], $0x40, s23, s11, $0xb8;
	[tilespmem:$0x1E620] =	vst v63  }
0x4c: {  	_ =	swait.ge [sflag:s5], $0xFA00  }
0x4d: {  	[sflag:s5] =	ssyncset.done $0x0  }
0x4e: {  	s24 =	simm.s32 $0x1B58;
	[sflag:s5] =	ssyncadd.s32 $0xFFFF0600  }
0x4f: {  	[tilespmem:s12], [sflag:$0x1] =	stream.indirect.gather [hbm4b:s10+s11], $0x40, s24, s11, $0xb8;
	[tilespmem:$0x1E620] =	vst v63  }
0x50: {  	_ =	swait.ge [sflag:s5], $0xFA00  }
0x51: {  	[sflag:s5] =	ssyncset.done $0x0  }
0x52: {  	s25 =	simm.s32 $0x4268;
	[sflag:s5] =	ssyncadd.s32 $0xFFFF0600  }
0x53: {  	[spmem:s2] =	stream.indirect.scatter.add.f32 [tilespmem:s12], [sflag:$0x1], $0x40, s25, s11, $0xb8;
	[tilespmem:$0x1E620] =	vst v63  }
0x54: {  	_ =	swait.ge [sflag:s5], $0xFA00  }
0x55: {  	[sflag:s5] =	ssyncset.done $0x0  }
0x56: {  	s26 =	simm.s32 $0x1F40;
	[sflag:s5] =	ssyncadd.s32 $0xFFFF0600  }
0x57: {  	[tilespmem:s12], [sflag:$0x1] =	stream.indirect.gather [hbm4b:s10+s11], $0x40, s26, s11, $0xb8;
	[tilespmem:$0x1E620] =	vst v63  }
0x58: {  	_ =	swait.ge [sflag:s5], $0xFA00  }
0x59: {  	[sflag:s5] =	ssyncset.done $0x0  }
0x5a: {  	s28 =	simm.s32 $0x4650;
	[sflag:s5] =	ssyncadd.s32 $0xFFFF0600  }
0x5b: {  	[spmem:s2] =	stream.indirect.scatter.add.f32 [tilespmem:s12], [sflag:$0x1], $0x40, s28, s11, $0xb8;
	[tilespmem:$0x1E620] =	vst v63  }
0x5c: {  	_ =	swait.ge [sflag:s5], $0xFA00  }
0x5d: {  	[sflag:s5] =	ssyncset.done $0x0  }
0x5e: {  	s29 =	simm.s32 $0x2328;
	s0 =	smul.u32 $0x9E000, s1;
	[sflag:s5] =	ssyncadd.s32 $0xFFFF0600  }
0x5f: {  	[tilespmem:s12], [sflag:$0x1] =	stream.indirect.gather [hbm4b:s10+s11], $0x40, s29, s11, $0xb8;
	[tilespmem:$0x1E620] =	vst v63  }
0x60: {  	_ =	swait.ge [sflag:s5], $0xFA00  }
0x61: {  	s30 =	simm.s32 $0x4A38;
	s0 =	sadd.s32 s31, s0;
	[sflag:s5] =	ssyncset.done $0x0  }
0x62: {  	s1 =	ssub.s32 $0x2, s1;
	s0 =	sshrl.u32 s0, $0x3;
	[sflag:s5] =	ssyncadd.s32 $0xFFFF0600  }
0x63: {  	[spmem:s2] =	stream.indirect.scatter.add.f32 [tilespmem:s12], [sflag:$0x1], $0x40, s30, s11, $0xb8;
	[tilespmem:$0x1E620] =	vst v63  }
0x64: {  	_ =	swait.ge [sflag:s5], $0xFA00;
	[dreg:$0x5] =	wrdreg s0;
	s0 =	sshrl.u32 s1, $0x1  }
0x65: {  	[dreg:$0x6] =	wrdreg s0  }
0x66: {  	[sflag:s5] =	ssyncset.done $0x0;
	s31 =	rddreg [dreg:$0x5]  }
0x67: {  	s0 =	rddreg [dreg:$0x0]  }
0x68: {  	s0 =	sadd.s32 s31, s0;
	s31 =	rddreg [dreg:$0x6]  }
0x69: {  	s1 =	ssub.s32 s1, s31  }
0x6a: {  	s1 =	smax.u32 s1, $0x1  }
0x6b: {  	p0 =	sne.s32 s1, $0x1  }
.Ltmp0:
0x6c: {  	_ = 	snop;
	(pc) =	sbr.rel @!p0 .LBB2_2-.Ltmp0, $4  }
0x6d: {  	[sflag:s5] =	ssyncadd.s32 $0xFFFF0600  }
0x6e: {  	[bflag:$0x0] =	sbarrier.arrive $0xFFFF;
	s31 =	sadd.s32 $0x29000, s0  }
0x6f: {  	[hbm:s31], [sflag:s4] =	dma.local [spmem:s6], $0x13C0  }
0x70: {  	s1 =	sadd.s32 $0xFFFFFFFF, s1;
	_ =	swait.ge [sflag:s5], $0x13C0  }
.LBB2_1:
0x71: {  	[sflag:s5] =	ssyncset.done $0x0  }
0x72: {  	s0 =	rddreg [dreg:$0x4];
	[sflag:s5] =	ssyncadd.s32 $0xFFFFEC40  }
0x73: {  	[spmem:s6], [sflag:s4] =	dma.local [hbm:s0], $0x13C0  }
0x74: {  	_ =	swait.ge [sflag:s5], $0x13C0  }
0x75: {  	[sflag:s5] =	ssyncset.done $0x0  }
0x76: {  	[sflag:s5] =	ssyncadd.s32 $0xFFFFEC40  }
0x77: {  	[tilespmem:s3], [sflag:$0x1] =	stream.linear.gather [hbm4b:s7+s3], $0x2710, $0x38;
	[tilespmem:$0x1E620] =	vst v63  }
0x78: {  	_ =	swait.ge [sflag:s5], $0x2710  }
0x79: {  	[sflag:s5] =	ssyncset.done $0x0  }
0x7a: {  	[sflag:s5] =	ssyncadd.s32 $0xFFFFD8F0  }
0x7b: {  	[tilespmem:s9], [sflag:$0x1] =	stream.linear.gather [hbm4b:s8+s3], $0x2710, $0x38;
	[tilespmem:$0x1E620] =	vst v63  }
0x7c: {  	_ =	swait.ge [sflag:s5], $0x2710  }
0x7d: {  	[sflag:s5] =	ssyncset.done $0x0  }
0x7e: {  	[sflag:s5] =	ssyncadd.s32 $0xFFFFD8F0  }
0x7f: {  	[bflag:$0x0] =	sbarrier.arrive $0xFFFF  }
0x80: {  	[tilespmem:s12], [sflag:$0x1] =	stream.indirect.gather [hbm4b:s10+s11], $0x40, s3, s11, $0xb8;
	[tilespmem:$0x1E620] =	vst v63  }
0x81: {  	_ =	swait.ge [sflag:s5], $0xFA00  }
0x82: {  	[sflag:s5] =	ssyncset.done $0x0  }
0x83: {  	[sflag:s5] =	ssyncadd.s32 $0xFFFF0600  }
0x84: {  	[spmem:s2] =	stream.indirect.scatter.add.f32 [tilespmem:s12], [sflag:$0x1], $0x40, s9, s11, $0xb8;
	[tilespmem:$0x1E620] =	vst v63  }
0x85: {  	_ =	swait.ge [sflag:s5], $0xFA00  }
0x86: {  	[sflag:s5] =	ssyncset.done $0x0  }
0x87: {  	[sflag:s5] =	ssyncadd.s32 $0xFFFF0600  }
0x88: {  	[tilespmem:s12], [sflag:$0x1] =	stream.indirect.gather [hbm4b:s10+s11], $0x40, s11, s11, $0xb8;
	[tilespmem:$0x1E620] =	vst v63  }
0x89: {  	_ =	swait.ge [sflag:s5], $0xFA00  }
0x8a: {  	[sflag:s5] =	ssyncset.done $0x0  }
0x8b: {  	[sflag:s5] =	ssyncadd.s32 $0xFFFF0600  }
0x8c: {  	[spmem:s2] =	stream.indirect.scatter.add.f32 [tilespmem:s12], [sflag:$0x1], $0x40, s13, s11, $0xb8;
	[tilespmem:$0x1E620] =	vst v63  }
0x8d: {  	_ =	swait.ge [sflag:s5], $0xFA00  }
0x8e: {  	[sflag:s5] =	ssyncset.done $0x0  }
0x8f: {  	[sflag:s5] =	ssyncadd.s32 $0xFFFF0600  }
0x90: {  	[tilespmem:s12], [sflag:$0x1] =	stream.indirect.gather [hbm4b:s10+s11], $0x40, s14, s11, $0xb8;
	[tilespmem:$0x1E620] =	vst v63  }
0x91: {  	_ =	swait.ge [sflag:s5], $0xFA00  }
0x92: {  	[sflag:s5] =	ssyncset.done $0x0  }
0x93: {  	[sflag:s5] =	ssyncadd.s32 $0xFFFF0600  }
0x94: {  	[spmem:s2] =	stream.indirect.scatter.add.f32 [tilespmem:s12], [sflag:$0x1], $0x40, s15, s11, $0xb8;
	[tilespmem:$0x1E620] =	vst v63  }
0x95: {  	_ =	swait.ge [sflag:s5], $0xFA00  }
0x96: {  	[sflag:s5] =	ssyncset.done $0x0  }
0x97: {  	[sflag:s5] =	ssyncadd.s32 $0xFFFF0600  }
0x98: {  	[tilespmem:s12], [sflag:$0x1] =	stream.indirect.gather [hbm4b:s10+s11], $0x40, s16, s11, $0xb8;
	[tilespmem:$0x1E620] =	vst v63  }
0x99: {  	_ =	swait.ge [sflag:s5], $0xFA00  }
0x9a: {  	[sflag:s5] =	ssyncset.done $0x0  }
0x9b: {  	[sflag:s5] =	ssyncadd.s32 $0xFFFF0600  }
0x9c: {  	[spmem:s2] =	stream.indirect.scatter.add.f32 [tilespmem:s12], [sflag:$0x1], $0x40, s17, s11, $0xb8;
	[tilespmem:$0x1E620] =	vst v63  }
0x9d: {  	_ =	swait.ge [sflag:s5], $0xFA00  }
0x9e: {  	[sflag:s5] =	ssyncset.done $0x0  }
0x9f: {  	[sflag:s5] =	ssyncadd.s32 $0xFFFF0600  }
0xa0: {  	[tilespmem:s12], [sflag:$0x1] =	stream.indirect.gather [hbm4b:s10+s11], $0x40, s18, s11, $0xb8;
	[tilespmem:$0x1E620] =	vst v63  }
0xa1: {  	_ =	swait.ge [sflag:s5], $0xFA00  }
0xa2: {  	[sflag:s5] =	ssyncset.done $0x0  }
0xa3: {  	[sflag:s5] =	ssyncadd.s32 $0xFFFF0600  }
0xa4: {  	[spmem:s2] =	stream.indirect.scatter.add.f32 [tilespmem:s12], [sflag:$0x1], $0x40, s19, s11, $0xb8;
	[tilespmem:$0x1E620] =	vst v63  }
0xa5: {  	_ =	swait.ge [sflag:s5], $0xFA00  }
0xa6: {  	[sflag:s5] =	ssyncset.done $0x0  }
0xa7: {  	[sflag:s5] =	ssyncadd.s32 $0xFFFF0600  }
0xa8: {  	[tilespmem:s12], [sflag:$0x1] =	stream.indirect.gather [hbm4b:s10+s11], $0x40, s20, s11, $0xb8;
	[tilespmem:$0x1E620] =	vst v63  }
0xa9: {  	_ =	swait.ge [sflag:s5], $0xFA00  }
0xaa: {  	[sflag:s5] =	ssyncset.done $0x0  }
0xab: {  	[sflag:s5] =	ssyncadd.s32 $0xFFFF0600  }
0xac: {  	[spmem:s2] =	stream.indirect.scatter.add.f32 [tilespmem:s12], [sflag:$0x1], $0x40, s21, s11, $0xb8;
	[tilespmem:$0x1E620] =	vst v63  }
0xad: {  	_ =	swait.ge [sflag:s5], $0xFA00  }
0xae: {  	[sflag:s5] =	ssyncset.done $0x0  }
0xaf: {  	[sflag:s5] =	ssyncadd.s32 $0xFFFF0600  }
0xb0: {  	[tilespmem:s12], [sflag:$0x1] =	stream.indirect.gather [hbm4b:s10+s11], $0x40, s22, s11, $0xb8;
	[tilespmem:$0x1E620] =	vst v63  }
0xb1: {  	_ =	swait.ge [sflag:s5], $0xFA00  }
0xb2: {  	[sflag:s5] =	ssyncset.done $0x0  }
0xb3: {  	[sflag:s5] =	ssyncadd.s32 $0xFFFF0600  }
0xb4: {  	[spmem:s2] =	stream.indirect.scatter.add.f32 [tilespmem:s12], [sflag:$0x1], $0x40, s23, s11, $0xb8;
	[tilespmem:$0x1E620] =	vst v63  }
0xb5: {  	_ =	swait.ge [sflag:s5], $0xFA00  }
0xb6: {  	[sflag:s5] =	ssyncset.done $0x0  }
0xb7: {  	[sflag:s5] =	ssyncadd.s32 $0xFFFF0600  }
0xb8: {  	[tilespmem:s12], [sflag:$0x1] =	stream.indirect.gather [hbm4b:s10+s11], $0x40, s24, s11, $0xb8;
	[tilespmem:$0x1E620] =	vst v63  }
0xb9: {  	_ =	swait.ge [sflag:s5], $0xFA00  }
0xba: {  	[sflag:s5] =	ssyncset.done $0x0  }
0xbb: {  	[sflag:s5] =	ssyncadd.s32 $0xFFFF0600  }
0xbc: {  	[spmem:s2] =	stream.indirect.scatter.add.f32 [tilespmem:s12], [sflag:$0x1], $0x40, s25, s11, $0xb8;
	[tilespmem:$0x1E620] =	vst v63  }
0xbd: {  	_ =	swait.ge [sflag:s5], $0xFA00  }
0xbe: {  	[sflag:s5] =	ssyncset.done $0x0  }
0xbf: {  	[sflag:s5] =	ssyncadd.s32 $0xFFFF0600  }
0xc0: {  	[tilespmem:s12], [sflag:$0x1] =	stream.indirect.gather [hbm4b:s10+s11], $0x40, s26, s11, $0xb8;
	[tilespmem:$0x1E620] =	vst v63  }
0xc1: {  	_ =	swait.ge [sflag:s5], $0xFA00  }
0xc2: {  	[sflag:s5] =	ssyncset.done $0x0  }
0xc3: {  	[sflag:s5] =	ssyncadd.s32 $0xFFFF0600  }
0xc4: {  	[spmem:s2] =	stream.indirect.scatter.add.f32 [tilespmem:s12], [sflag:$0x1], $0x40, s28, s11, $0xb8;
	[tilespmem:$0x1E620] =	vst v63  }
0xc5: {  	_ =	swait.ge [sflag:s5], $0xFA00  }
0xc6: {  	[sflag:s5] =	ssyncset.done $0x0  }
0xc7: {  	[sflag:s5] =	ssyncadd.s32 $0xFFFF0600  }
0xc8: {  	[tilespmem:s12], [sflag:$0x1] =	stream.indirect.gather [hbm4b:s10+s11], $0x40, s29, s11, $0xb8;
	[tilespmem:$0x1E620] =	vst v63  }
0xc9: {  	_ =	swait.ge [sflag:s5], $0xFA00  }
0xca: {  	[sflag:s5] =	ssyncset.done $0x0  }
0xcb: {  	[sflag:s5] =	ssyncadd.s32 $0xFFFF0600  }
0xcc: {  	[spmem:s2] =	stream.indirect.scatter.add.f32 [tilespmem:s12], [sflag:$0x1], $0x40, s30, s11, $0xb8;
	[tilespmem:$0x1E620] =	vst v63  }
0xcd: {  	p0 =	sne.s32 s1, $0x1;
	_ =	swait.ge [sflag:s5], $0xFA00  }
.Ltmp1:
0xce: {  	[sflag:s5] =	ssyncset.done $0x0;
	(pc) =	sbr.rel @p0 .LBB2_1-.Ltmp1, $4  }
0xcf: {  	[sflag:s5] =	ssyncadd.s32 $0xFFFF0600  }
0xd0: {  	[bflag:$0x0] =	sbarrier.arrive $0xFFFF  }
0xd1: {  	[hbm:s31], [sflag:s4] =	dma.local [spmem:s6], $0x13C0  }
0xd2: {  	s1 =	sadd.s32 $0xFFFFFFFF, s1;
	_ =	swait.ge [sflag:s5], $0x13C0  }
.LBB2_2:
0xd3: {  	[sflag:s5] =	ssyncset.done $0x0  }
0xd4: {  	[sflag:s5] =	ssyncadd.s32 $0xFFFFEC40  }
0xd5: {  	_ =	sfence.sel $0x180000  }
0xd6: {  	[bflag:$0x0] =	sbarrier.arrive $0xFFFF  }
0xd7: {  	_ =	strace $0x9000004A  }
0xd8: {  	s0 =	stileid.u32;
	[bflag:$0x2] =	sbarrier.arrive $0xFFFF  }
0xd9: {  	p0 =	sne.s32 s0, $0x0;
	s0 =	rddreg [dreg:$0x3]  }
0xda: {  	s0 =	sadd.s32 @!p0 $0x100000, s0  }
0xdb: {  	[sflag:s0] =	ssyncadd.tile.s32 @!p0 $0x1;
	_ =	shalt  }
.Lfunc_end2:
_tile_overlayer_lowered:
.L_overlay_start_2:
0xdc: {  	(tag) =	ssettag $0x2  }
0xdd: {  	s0 =	rddreg [dreg:$0x0];
	s2 =	stileid.u32  }
0xde: {  	s1 =	rddreg [dreg:$0x1];
	p0 =	sne.s32 s2, $0x0  }
0xdf: {  	s3 =	rddreg [dreg:$0x2];
	[bflag:$0x3] =	sbarrier.arrive $0xFFFF;
	s2 =	simm.s32 @!p0 $0x1C01  }
0xe0: {  	[timem:s3], [sflag:s2] =	dma.local @!p0 [hbm:s0], s1  }
0xe1: {  	s0 =	simm.s32 @!p0 $0x1  }
0xe2: {  	_ =	swait.ge @!p0 [sflag:s0], s1  }
0xe3: {  	s1 =	ssub.s32 @!p0 $0x0, s1;
	[sflag:s0] =	ssyncset.done @!p0 $0x0  }
0xe4: {  	[sflag:s0] =	ssyncadd.s32 @!p0 s1  }
0xe5: {  	[bflag:$0x3] =	sbarrier.arrive $0xFFFF  }
0xe6: {  	_ =	shalt  }

// kernel: kernel.7.cloned.1.call-start
scs
__scs_entry_jumppad:
0x0: {  	(pc) =	sbr.rel $0x88, $3  }
0x1: {  	(tag) =	ssettag $0x0;
	lr =	simm.s32 $0x1  }
0x2: {  	[smem:$0x3F95] =	sst lr;
	_ =	strace $0xD0000000  }
0x3: {  	_ = 	snop  }
0x4: {  	_ = 	snop  }
0x5: {  	_ = 	snop  }
0x6: {  	_ = 	snop  }
0x7: {  	_ = 	snop  }
__scs_overlays_trampoline_lowered:
0x8: {  	[smem:$0x3FA4] =	sst s0  }
0x9: {  	[smem:$0x3FA5] =	sst s1  }
0xa: {  	[smem:$0x3FA6] =	sst s2  }
0xb: {  	[smem:$0x3FA7] =	sst s3  }
0xc: {  	[smem:$0x3FA8] =	sst s4  }
0xd: {  	[smem:$0x3FA9] =	sst s5  }
0xe: {  	[smem:$0x3FAA] =	sst s6  }
0xf: {  	[smem:$0x3FAB] =	sst s7  }
0x10: {  	[smem:$0x3FAC] =	sst s8  }
0x11: {  	[smem:$0x3FAD] =	sst s9;
	s0 =	simm.s32 @!p0 $0x0  }
0x12: {  	s1 =	sld [smem:$0x3F93];
	s0 =	simm.s32 @p0 $0x1  }
0x13: {  	[smem:$0x3FAE] =	sst s0;
	s0 =	simm.s32 @!p1 $0x0  }
0x14: {  	s2 =	sld [smem:$0x3F92];
	s0 =	simm.s32 @p1 $0x1  }
0x15: {  	[smem:$0x3FAF] =	sst s0;
	s0 =	simm.s32 @!p2 $0x0  }
0x16: {  	s3 =	sld [smem:$0x3FDB];
	s0 =	simm.s32 @p2 $0x1  }
0x17: {  	s4 =	simm.s32 $0x1BF5;
	[smem:$0x3FB1] =	sst s0  }
0x18: {  	s0 =	sld [smem:$0x3F94];
	_ =	swait.ge [sflag:s4], $0x0  }
0x19: {  	s7 =	sld [smem:$0x3F95]  }
0x1a: {  	s8 =	sadd.s32 $0xFFFFE003, lr  }
0x1b: {  	s9 =	sadd.s32 $0xFFFFFEF7, lr;
	s5 =	simm.s32 $0xFFFFFFFF;
	p2 =	slt.u32 s8, $0xFFFFF086  }
0x1c: {  	p1 =	slt.u32 s9, $0xF7A;
	s5 =	simm.s32 @!p2 $0x0  }
0x1d: {  	s5 =	simm.s32 @p1 $0x1;
	p0 =	seq.s32 s7, s2  }
0x1e: {  	s7 =	smul.u32 @!p0 $0xF7A, s2;
	p2 =	seq.s32 @!p0 s5, $0x0  }
0x1f: {  	s9 =	smul.u32 $0xF7A, s1;
	s8 =	simm.s32 @!p0 $0x1BF5;
	p2 =	por !p2, p0  }
0x20: {  	[sflag:s8] =	ssyncset.s32 @!p0 $0xFFFFF086;
	s6 =	sadd.s32 @!p0 s3, s7;
	s7 =	simm.s32 @!p0 $0x108  }
0x21: {  	s3 =	sadd.s32 s3, s9;
	s6 =	sadd.s32 @!p0 $0x88, s6;
	s7 =	simm.s32 @p2 $0x1082  }
0x22: {  	[simem:s7], [sflag:s8] =	dma.local @!p0 [hbm:s6], $0xF7A  }
0x23: {  	s9 =	sor.u32 $0xD0000000, s2;
	s6 =	simm.s32 $0x108;
	_ =	swait.ge @!p0 [sflag:s8], $0x0  }
0x24: {  	s3 =	sadd.s32 $0x88, s3;
	s6 =	simm.s32 @!p1 $0x1082;
	[sflag:s4] =	ssyncset.s32 $0xFFFFF086  }
0x25: {  	[simem:s6], [sflag:s4] =	dma.local [hbm:s3], $0xF7A  }
0x26: {  	[smem:$0x3F95] =	sst s1;
	(tag) =	ssettag s2;
	_ =	strace s9  }
0x27: {  	s1 =	sld [smem:$0x3FA5]  }
0x28: {  	s2 =	sld [smem:$0x3FA6]  }
0x29: {  	s4 =	sld [smem:$0x3FA8]  }
0x2a: {  	p0 =	seq.s32 s5, $0x0;
	s5 =	sld [smem:$0x3FA9]  }
0x2b: {  	s6 =	sld [smem:$0x3FAA]  }
0x2c: {  	s7 =	sld [smem:$0x3FAB]  }
0x2d: {  	s3 =	simm.s32 $0x108;
	s8 =	sld [smem:$0x3FAC]  }
0x2e: {  	s3 =	simm.s32 @!p0 $0x1082;
	s9 =	sld [smem:$0x3FAD]  }
0x2f: {  	lr =	sadd.s32 s0, s3;
	s0 =	sld [smem:$0x3FA4]  }
0x30: {  	s3 =	sld [smem:$0x3FA7]  }
0x31: {  	[smem:$0x3FB0] =	sst s10  }
0x32: {  	s10 =	sld [smem:$0x3FAE];
	_ =	sdelay $0x3  }
0x33: {  	p0 =	seq.s32 s10, $0x1;
	s10 =	sld [smem:$0x3FB0];
	_ =	sdelay $0x3  }
0x34: {  	[smem:$0x3FB0] =	sst s10  }
0x35: {  	s10 =	sld [smem:$0x3FAF];
	_ =	sdelay $0x3  }
0x36: {  	p1 =	seq.s32 s10, $0x1;
	s10 =	sld [smem:$0x3FB0];
	_ =	sdelay $0x3  }
0x37: {  	[smem:$0x3FB0] =	sst s10  }
0x38: {  	s10 =	sld [smem:$0x3FB1]  }
0x39: {  	_ = 	snop;
	(pc) =	sbr.ind lr, $3  }
0x3a: {  	_ = 	snop  }
0x3b: {  	_ = 	snop  }
0x3c: {  	p2 =	seq.s32 s10, $0x1;
	s10 =	sld [smem:$0x3FB0]  }
0x3d: {  	_ =	shalt  }
0x3e: {  	_ =	shalt  }
0x3f: {  	_ =	shalt  }
0x40: {  	_ =	shalt  }
0x41: {  	_ =	shalt  }
0x42: {  	_ =	shalt  }
0x43: {  	_ =	shalt  }
0x44: {  	_ =	shalt  }
0x45: {  	_ =	shalt  }
0x46: {  	_ =	shalt  }
0x47: {  	_ =	shalt  }
0x48: {  	_ =	shalt  }
0x49: {  	_ =	shalt  }
0x4a: {  	_ =	shalt  }
0x4b: {  	_ =	shalt  }
0x4c: {  	_ =	shalt  }
0x4d: {  	_ =	shalt  }
0x4e: {  	_ =	shalt  }
0x4f: {  	_ =	shalt  }
0x50: {  	_ =	shalt  }
0x51: {  	_ =	shalt  }
0x52: {  	_ =	shalt  }
0x53: {  	_ =	shalt  }
0x54: {  	_ =	shalt  }
0x55: {  	_ =	shalt  }
0x56: {  	_ =	shalt  }
0x57: {  	_ =	shalt  }
0x58: {  	_ =	shalt  }
0x59: {  	_ =	shalt  }
0x5a: {  	_ =	shalt  }
0x5b: {  	_ =	shalt  }
0x5c: {  	_ =	shalt  }
0x5d: {  	_ =	shalt  }
0x5e: {  	_ =	shalt  }
0x5f: {  	_ =	shalt  }
0x60: {  	_ =	shalt  }
0x61: {  	_ =	shalt  }
0x62: {  	_ =	shalt  }
0x63: {  	_ =	shalt  }
0x64: {  	_ =	shalt  }
0x65: {  	_ =	shalt  }
0x66: {  	_ =	shalt  }
0x67: {  	_ =	shalt  }
0x68: {  	_ =	shalt  }
0x69: {  	_ =	shalt  }
0x6a: {  	_ =	shalt  }
0x6b: {  	_ =	shalt  }
0x6c: {  	_ =	shalt  }
0x6d: {  	_ =	shalt  }
0x6e: {  	_ =	shalt  }
0x6f: {  	_ =	shalt  }
0x70: {  	_ =	shalt  }
0x71: {  	_ =	shalt  }
0x72: {  	_ =	shalt  }
0x73: {  	_ =	shalt  }
0x74: {  	_ =	shalt  }
0x75: {  	_ =	shalt  }
0x76: {  	_ =	shalt  }
0x77: {  	_ =	shalt  }
0x78: {  	_ =	shalt  }
0x79: {  	_ =	shalt  }
0x7a: {  	_ =	shalt  }
0x7b: {  	_ =	shalt  }
0x7c: {  	_ =	shalt  }
0x7d: {  	_ =	shalt  }
0x7e: {  	_ =	shalt  }
0x7f: {  	_ =	shalt  }
0x80: {  	_ =	shalt  }
0x81: {  	_ =	shalt  }
0x82: {  	_ =	shalt  }
0x83: {  	_ =	shalt  }
0x84: {  	_ =	shalt  }
0x85: {  	_ =	shalt  }
0x86: {  	_ =	shalt  }
0x87: {  	_ =	shalt  }
.Lfunc_end0:
.L_simem_size_0:
called_computation_lowered:
.L_overlay_start_0:
0x88: {  	s2 =	sld [smem:$0x3FD9]  }
0x89: {  	s3 =	sld [smem:$0x3FFE];
	_ =	sdelay $0x1  }
0x8a: {  	s1 =	srdreg.scid  }
0x8b: {  	s0 =	sand.u32 $0x1, s1  }
0x8c: {  	s17 =	sshll.u32 s0, $0xA;
	s2 =	sadd.s32 s3, s2  }
0x8d: {  	s2 =	sadd.s32 s2, s17  }
0x8e: {  	[smem:$0x3FBC] =	sst s2  }
0x8f: {  	_ = 	snop  }
0x90: {  	s2 =	sld [smem:$0x3FD0];
	(tm) =	ssettm $0x1  }
0x91: {  	s18 =	sld [smem:$0x3FFB];
	_ =	sdelay $0x3  }
0x92: {  	_ =	strace s18  }
0x93: {  	s3 =	sld [smem:$0x3FFC];
	_ =	sdelay $0x3  }
0x94: {  	_ =	strace s3  }
0x95: {  	s3 =	sld [smem:$0x3FFD];
	_ =	sdelay $0x3  }
0x96: {  	_ =	strace s3  }
0x97: {  	_ =	strace $0x8FFFFFFF  }
0x98: {  	s19 =	sld [smem:$0x3FDB];
	_ =	sdelay $0x1  }
0x99: {  	s4 =	simm.s32 $_scs_section_size  }
0x9a: {  	s5 =	simm.s32 $_size__tile_overlayer_lowered;
	s6 =	simm.s32 $_tile_overlayer_lowered  }
0x9b: {  	s22 =	simm.s32 $0x1BFF;
	s21 =	sshll.u32 s6, $0x1;
	s3 =	sadd.s32 s4, s19  }
0x9c: {  	s7 =	simm.s32 $0x0;
	s20 =	sshll.u32 s5, $0x1;
	s5 =	sadd.s32 s21, s3  }
0x9d: {  	[timem:s7], [sflag:s22] =	dma.local [hbm:s5], s20  }
0x9e: {  	_ =	swait.ge [sflag:s22], s20  }
0x9f: {  	s4 =	ssub.s32 $0x0, s20;
	[sflag:s22] =	ssyncset.done $0x0  }
0xa0: {  	[sflag:s22] =	ssyncadd.s32 s4;
	_ =	sdelay $0x1  }
0xa1: {  	s23 =	simm.s32 $0x1B8B  }
0xa2: {  	_ =	swait.ge [sflag:s23], $0x1  }
0xa3: {  	[sflag:s23] =	ssyncset.done $0x0  }
0xa4: {  	s25 =	simm.s32 $0x1B8E;
	s24 =	sld [smem:$0x3FFE];
	[sflag:s23] =	ssyncadd.s32 $0xFFFFFFFF  }
0xa5: {  	s26 =	simm.s32 $execute0_lowered;
	[smem:$0x3FD2] =	sst s25  }
0xa6: {  	s5 =	sshll.u32 s26, $0x1;
	_ =	strace $0x80000046;
	[dreg:$0x1] =	wrdreg $0xFFFFFFFF  }
0xa7: {  	s28 =	simm.s32 $_size_execute0_lowered;
	s3 =	sadd.s32 s3, s5;
	[dreg:$0x0] =	wrdreg $0x0  }
0xa8: {  	s5 =	sshll.u32 s28, $0x1;
	[dreg:$0x2] =	wrdreg s3  }
0xa9: {  	[dreg:$0x3] =	wrdreg s5  }
0xaa: {  	[dreg:$0x4] =	wrdreg $0xC0  }
0xab: {  	_ =	task [dreg:s7], $0x5FFFF  }
0xac: {  	[dreg:$0x1] =	wrdreg $0xFFFFFFFF  }
0xad: {  	[dreg:$0x0] =	wrdreg $0x60  }
0xae: {  	[dreg:$0x2] =	wrdreg s24  }
0xaf: {  	[dreg:$0x3] =	wrdreg s2  }
0xb0: {  	[dreg:$0x4] =	wrdreg $0x148200  }
0xb1: {  	[dreg:$0x5] =	wrdreg $0x9  }
0xb2: {  	_ =	task.clear_ibuf [dreg:s7], $0x6FFFF;
	_ =	strace $0x90000046  }
0xb3: {  	s29 =	simm.s32 $0x9;
	_ =	strace $0x80000048  }
0xb4: {  	_ =	swait.ge [sflag:s29], $0x1  }
0xb5: {  	[sflag:s29] =	ssyncadd.s32 $0xFFFFFFFF  }
0xb6: {  	_ =	strace $0x90000048  }
0xb7: {  	_ =	sfence  }
0xb8: {  	s30 =	sld [smem:$0x0];
	_ =	sdelay $0x2  }
0xb9: {  	s31 =	sshll.u32 s1, $0xD;
	s1 =	sshrl.u32 s1, $0x2  }
0xba: {  	s3 =	sand.u32 $0x4000, s31;
	s1 =	sadd.s32 s1, s30  }
0xbb: {  	s0 =	sor.u32 s3, s0;
	s1 =	sshll.u32 s1, $0x11  }
0xbc: {  	s0 =	sor.u32 s1, s0  }
0xbd: {  	s0 =	sadd.s32 $0x8F2B, s0  }
0xbe: {  	[sflag:s0] =	ssyncadd.remote.s32 $0x1  }
0xbf: {  	_ =	sfence.sel $0xFFFF  }
0xc0: {  	[dreg:$0x0] =	wrdreg $0xFFFFFFFF;
	(pc) =	sbr.abs _section_cstart, $3  }
0xc1: {  	[dreg:$0x1] =	wrdreg $0xFFFFFFFF  }
0xc2: {  	_ =	task.clear_ibuf [dreg:s7], $0x2FFFF;
	_ =	strace $0x9FFFFFFF  }
0xc3: {  	(tm) =	ssettm $0x7FFFFFFF  }
tec
execute0_lowered:
.L_overlay_start_1:
0x0: {  	(tag) =	ssettag $0x1  }
0x1: {  	s12 =	rddreg [dreg:$0x0]  }
0x2: {  	s0 =	rddreg [dreg:$0x1];
	s6 =	stileid.u32  }
0x3: {  	s2 =	rddreg [dreg:$0x2];
	s3 =	simm.s32 $0x0;
	s5 =	srdreg.scid  }
0x4: {  	s31 =	smul.u32 $0x9E00, s6;
	[smem:$0x7FF] =	sst s3  }
0x5: {  	s1 =	sand.u32 $0x1, s5;
	s25 =	sshll.u32 s6, $0x6;
	s8 =	smul.u32 $0x2710, s6  }
0x6: {  	s5 =	simm.s32 $0x1;
	_ =	strace $0x80000047;
	s4 =	sshrl.u32 s31, $0x3  }
0x7: {  	p0 =	seq.s32 s1, $0x1;
	s26 =	sadd.s32 s31, s2;
	s4 =	sadd.s32 s0, s4  }
0x8: {  	s9 =	sadd.s32 $0x27100, s8;
	s10 =	smov.u32 s8;
	[dreg:$0x4] =	wrdreg s4  }
0x9: {  	s6 =	sshrl.u32 s26, $0x3;
	s4 =	sor.u32 $0x1C01, s25;
	s7 =	rddreg [dreg:$0x4]  }
0xa: {  	[spmem:s6], [sflag:s4] =	dma.local [hbm:s7], $0x13C0  }
0xb: {  	s11 =	sadd.s32 $0x1C00, s12;
	s10 =	smov.u32 @p0 s9;
	_ =	swait.ge [sflag:s5], $0x13C0  }
0xc: {  	s9 =	simm.s32 $0x75300;
	s0 =	sshrl.u32 s10, $0x3;
	[sflag:s5] =	ssyncset.done $0x0  }
0xd: {  	s9 =	simm.s32 @!p0 $0x4E200;
	s7 =	sadd.s32 s11, s0;
	[sflag:s5] =	ssyncadd.s32 $0xFFFFEC40  }
0xe: {  	[tilespmem:s3], [sflag:$0x1] =	stream.linear.gather [hbm4b:s7+s3], $0x2710, $0x38;
	[tilespmem:$0x1E620] =	vst v63  }
0xf: {  	s8 =	sadd.s32 s9, s8;
	_ =	swait.ge [sflag:s5], $0x2710  }
0x10: {  	s8 =	sshrl.u32 s8, $0x3;
	[sflag:s5] =	ssyncset.done $0x0  }
0x11: {  	s9 =	simm.s32 $0x2710;
	s8 =	sadd.s32 s11, s8;
	[sflag:s5] =	ssyncadd.s32 $0xFFFFD8F0  }
0x12: {  	[tilespmem:s9], [sflag:$0x1] =	stream.linear.gather [hbm4b:s8+s3], $0x2710, $0x38;
	[tilespmem:$0x1E620] =	vst v63  }
0x13: {  	_ =	swait.ge [sflag:s5], $0x2710  }
0x14: {  	[sflag:s5] =	ssyncset.done $0x0  }
0x15: {  	s10 =	sadd.s32 $0x15600, s12;
	[sflag:s5] =	ssyncadd.s32 $0xFFFFD8F0  }
0x16: {  	s12 =	simm.s32 $0x4E20;
	s11 =	simm.s32 $0x3E8;
	[bflag:$0x0] =	sbarrier.arrive $0xFFFF  }
0x17: {  	[tilespmem:s12], [sflag:$0x1] =	stream.indirect.gather [hbm4b:s10+s11], $0x40, s3, s11, $0xb8;
	[tilespmem:$0x1E620] =	vst v63  }
0x18: {  	_ =	swait.ge [sflag:s5], $0xFA00  }
0x19: {  	[sflag:s5] =	ssyncset.done $0x0  }
0x1a: {  	[sflag:s5] =	ssyncadd.s32 $0xFFFF0600  }
0x1b: {  	[spmem:s2] =	stream.indirect.scatter.add.f32 [tilespmem:s12], [sflag:$0x1], $0x40, s9, s11, $0xb8;
	[tilespmem:$0x1E620] =	vst v63  }
0x1c: {  	_ =	swait.ge [sflag:s5], $0xFA00  }
0x1d: {  	[sflag:s5] =	ssyncset.done $0x0  }
0x1e: {  	[sflag:s5] =	ssyncadd.s32 $0xFFFF0600  }
0x1f: {  	[tilespmem:s12], [sflag:$0x1] =	stream.indirect.gather [hbm4b:s10+s11], $0x40, s11, s11, $0xb8;
	[tilespmem:$0x1E620] =	vst v63  }
0x20: {  	_ =	swait.ge [sflag:s5], $0xFA00  }
0x21: {  	[sflag:s5] =	ssyncset.done $0x0  }
0x22: {  	s13 =	simm.s32 $0x2AF8;
	[sflag:s5] =	ssyncadd.s32 $0xFFFF0600  }
0x23: {  	[spmem:s2] =	stream.indirect.scatter.add.f32 [tilespmem:s12], [sflag:$0x1], $0x40, s13, s11, $0xb8;
	[tilespmem:$0x1E620] =	vst v63  }
0x24: {  	_ =	swait.ge [sflag:s5], $0xFA00  }
0x25: {  	[sflag:s5] =	ssyncset.done $0x0  }
0x26: {  	s14 =	simm.s32 $0x7D0;
	[sflag:s5] =	ssyncadd.s32 $0xFFFF0600  }
0x27: {  	[tilespmem:s12], [sflag:$0x1] =	stream.indirect.gather [hbm4b:s10+s11], $0x40, s14, s11, $0xb8;
	[tilespmem:$0x1E620] =	vst v63  }
0x28: {  	_ =	swait.ge [sflag:s5], $0xFA00  }
0x29: {  	[sflag:s5] =	ssyncset.done $0x0  }
0x2a: {  	s15 =	simm.s32 $0x2EE0;
	[sflag:s5] =	ssyncadd.s32 $0xFFFF0600  }
0x2b: {  	[spmem:s2] =	stream.indirect.scatter.add.f32 [tilespmem:s12], [sflag:$0x1], $0x40, s15, s11, $0xb8;
	[tilespmem:$0x1E620] =	vst v63  }
0x2c: {  	_ =	swait.ge [sflag:s5], $0xFA00  }
0x2d: {  	[sflag:s5] =	ssyncset.done $0x0  }
0x2e: {  	s16 =	simm.s32 $0xBB8;
	[sflag:s5] =	ssyncadd.s32 $0xFFFF0600  }
0x2f: {  	[tilespmem:s12], [sflag:$0x1] =	stream.indirect.gather [hbm4b:s10+s11], $0x40, s16, s11, $0xb8;
	[tilespmem:$0x1E620] =	vst v63  }
0x30: {  	_ =	swait.ge [sflag:s5], $0xFA00  }
0x31: {  	[sflag:s5] =	ssyncset.done $0x0  }
0x32: {  	s17 =	simm.s32 $0x32C8;
	[sflag:s5] =	ssyncadd.s32 $0xFFFF0600  }
0x33: {  	[spmem:s2] =	stream.indirect.scatter.add.f32 [tilespmem:s12], [sflag:$0x1], $0x40, s17, s11, $0xb8;
	[tilespmem:$0x1E620] =	vst v63  }
0x34: {  	_ =	swait.ge [sflag:s5], $0xFA00  }
0x35: {  	[sflag:s5] =	ssyncset.done $0x0  }
0x36: {  	s18 =	simm.s32 $0xFA0;
	[sflag:s5] =	ssyncadd.s32 $0xFFFF0600  }
0x37: {  	[tilespmem:s12], [sflag:$0x1] =	stream.indirect.gather [hbm4b:s10+s11], $0x40, s18, s11, $0xb8;
	[tilespmem:$0x1E620] =	vst v63  }
0x38: {  	_ =	swait.ge [sflag:s5], $0xFA00  }
0x39: {  	[sflag:s5] =	ssyncset.done $0x0  }
0x3a: {  	s19 =	simm.s32 $0x36B0;
	[sflag:s5] =	ssyncadd.s32 $0xFFFF0600  }
0x3b: {  	[spmem:s2] =	stream.indirect.scatter.add.f32 [tilespmem:s12], [sflag:$0x1], $0x40, s19, s11, $0xb8;
	[tilespmem:$0x1E620] =	vst v63  }
0x3c: {  	_ =	swait.ge [sflag:s5], $0xFA00  }
0x3d: {  	[sflag:s5] =	ssyncset.done $0x0  }
0x3e: {  	s20 =	simm.s32 $0x1388;
	[sflag:s5] =	ssyncadd.s32 $0xFFFF0600  }
0x3f: {  	[tilespmem:s12], [sflag:$0x1] =	stream.indirect.gather [hbm4b:s10+s11], $0x40, s20, s11, $0xb8;
	[tilespmem:$0x1E620] =	vst v63  }
0x40: {  	_ =	swait.ge [sflag:s5], $0xFA00  }
0x41: {  	[sflag:s5] =	ssyncset.done $0x0  }
0x42: {  	s21 =	simm.s32 $0x3A98;
	[sflag:s5] =	ssyncadd.s32 $0xFFFF0600  }
0x43: {  	[spmem:s2] =	stream.indirect.scatter.add.f32 [tilespmem:s12], [sflag:$0x1], $0x40, s21, s11, $0xb8;
	[tilespmem:$0x1E620] =	vst v63  }
0x44: {  	_ =	swait.ge [sflag:s5], $0xFA00  }
0x45: {  	[sflag:s5] =	ssyncset.done $0x0  }
0x46: {  	s22 =	simm.s32 $0x1770;
	[sflag:s5] =	ssyncadd.s32 $0xFFFF0600  }
0x47: {  	[tilespmem:s12], [sflag:$0x1] =	stream.indirect.gather [hbm4b:s10+s11], $0x40, s22, s11, $0xb8;
	[tilespmem:$0x1E620] =	vst v63  }
0x48: {  	_ =	swait.ge [sflag:s5], $0xFA00  }
0x49: {  	[sflag:s5] =	ssyncset.done $0x0  }
0x4a: {  	s23 =	simm.s32 $0x3E80;
	[sflag:s5] =	ssyncadd.s32 $0xFFFF0600  }
0x4b: {  	[spmem:s2] =	stream.indirect.scatter.add.f32 [tilespmem:s12], [sflag:$0x1], $0x40, s23, s11, $0xb8;
	[tilespmem:$0x1E620] =	vst v63  }
0x4c: {  	_ =	swait.ge [sflag:s5], $0xFA00  }
0x4d: {  	[sflag:s5] =	ssyncset.done $0x0  }
0x4e: {  	s24 =	simm.s32 $0x1B58;
	[sflag:s5] =	ssyncadd.s32 $0xFFFF0600  }
0x4f: {  	[tilespmem:s12], [sflag:$0x1] =	stream.indirect.gather [hbm4b:s10+s11], $0x40, s24, s11, $0xb8;
	[tilespmem:$0x1E620] =	vst v63  }
0x50: {  	_ =	swait.ge [sflag:s5], $0xFA00  }
0x51: {  	[sflag:s5] =	ssyncset.done $0x0  }
0x52: {  	s25 =	simm.s32 $0x4268;
	[sflag:s5] =	ssyncadd.s32 $0xFFFF0600  }
0x53: {  	[spmem:s2] =	stream.indirect.scatter.add.f32 [tilespmem:s12], [sflag:$0x1], $0x40, s25, s11, $0xb8;
	[tilespmem:$0x1E620] =	vst v63  }
0x54: {  	_ =	swait.ge [sflag:s5], $0xFA00  }
0x55: {  	[sflag:s5] =	ssyncset.done $0x0  }
0x56: {  	s26 =	simm.s32 $0x1F40;
	[sflag:s5] =	ssyncadd.s32 $0xFFFF0600  }
0x57: {  	[tilespmem:s12], [sflag:$0x1] =	stream.indirect.gather [hbm4b:s10+s11], $0x40, s26, s11, $0xb8;
	[tilespmem:$0x1E620] =	vst v63  }
0x58: {  	_ =	swait.ge [sflag:s5], $0xFA00  }
0x59: {  	[sflag:s5] =	ssyncset.done $0x0  }
0x5a: {  	s28 =	simm.s32 $0x4650;
	[sflag:s5] =	ssyncadd.s32 $0xFFFF0600  }
0x5b: {  	[spmem:s2] =	stream.indirect.scatter.add.f32 [tilespmem:s12], [sflag:$0x1], $0x40, s28, s11, $0xb8;
	[tilespmem:$0x1E620] =	vst v63  }
0x5c: {  	_ =	swait.ge [sflag:s5], $0xFA00  }
0x5d: {  	[sflag:s5] =	ssyncset.done $0x0  }
0x5e: {  	s29 =	simm.s32 $0x2328;
	s0 =	smul.u32 $0x9E000, s1;
	[sflag:s5] =	ssyncadd.s32 $0xFFFF0600  }
0x5f: {  	[tilespmem:s12], [sflag:$0x1] =	stream.indirect.gather [hbm4b:s10+s11], $0x40, s29, s11, $0xb8;
	[tilespmem:$0x1E620] =	vst v63  }
0x60: {  	_ =	swait.ge [sflag:s5], $0xFA00  }
0x61: {  	s30 =	simm.s32 $0x4A38;
	s0 =	sadd.s32 s31, s0;
	[sflag:s5] =	ssyncset.done $0x0  }
0x62: {  	s1 =	ssub.s32 $0x2, s1;
	s0 =	sshrl.u32 s0, $0x3;
	[sflag:s5] =	ssyncadd.s32 $0xFFFF0600  }
0x63: {  	[spmem:s2] =	stream.indirect.scatter.add.f32 [tilespmem:s12], [sflag:$0x1], $0x40, s30, s11, $0xb8;
	[tilespmem:$0x1E620] =	vst v63  }
0x64: {  	_ =	swait.ge [sflag:s5], $0xFA00;
	[dreg:$0x5] =	wrdreg s0;
	s0 =	sshrl.u32 s1, $0x1  }
0x65: {  	[dreg:$0x6] =	wrdreg s0  }
0x66: {  	[sflag:s5] =	ssyncset.done $0x0;
	s31 =	rddreg [dreg:$0x5]  }
0x67: {  	s0 =	rddreg [dreg:$0x0]  }
0x68: {  	s0 =	sadd.s32 s31, s0;
	s31 =	rddreg [dreg:$0x6]  }
0x69: {  	s1 =	ssub.s32 s1, s31  }
0x6a: {  	s1 =	smax.u32 s1, $0x1  }
0x6b: {  	p0 =	sne.s32 s1, $0x1  }
.Ltmp0:
0x6c: {  	_ = 	snop;
	(pc) =	sbr.rel @!p0 .LBB2_2-.Ltmp0, $4  }
0x6d: {  	[sflag:s5] =	ssyncadd.s32 $0xFFFF0600  }
0x6e: {  	[bflag:$0x0] =	sbarrier.arrive $0xFFFF;
	s31 =	sadd.s32 $0x29000, s0  }
0x6f: {  	[hbm:s31], [sflag:s4] =	dma.local [spmem:s6], $0x13C0  }
0x70: {  	s1 =	sadd.s32 $0xFFFFFFFF, s1;
	_ =	swait.ge [sflag:s5], $0x13C0  }
.LBB2_1:
0x71: {  	[sflag:s5] =	ssyncset.done $0x0  }
0x72: {  	s0 =	rddreg [dreg:$0x4];
	[sflag:s5] =	ssyncadd.s32 $0xFFFFEC40  }
0x73: {  	[spmem:s6], [sflag:s4] =	dma.local [hbm:s0], $0x13C0  }
0x74: {  	_ =	swait.ge [sflag:s5], $0x13C0  }
0x75: {  	[sflag:s5] =	ssyncset.done $0x0  }
0x76: {  	[sflag:s5] =	ssyncadd.s32 $0xFFFFEC40  }
0x77: {  	[tilespmem:s3], [sflag:$0x1] =	stream.linear.gather [hbm4b:s7+s3], $0x2710, $0x38;
	[tilespmem:$0x1E620] =	vst v63  }
0x78: {  	_ =	swait.ge [sflag:s5], $0x2710  }
0x79: {  	[sflag:s5] =	ssyncset.done $0x0  }
0x7a: {  	[sflag:s5] =	ssyncadd.s32 $0xFFFFD8F0  }
0x7b: {  	[tilespmem:s9], [sflag:$0x1] =	stream.linear.gather [hbm4b:s8+s3], $0x2710, $0x38;
	[tilespmem:$0x1E620] =	vst v63  }
0x7c: {  	_ =	swait.ge [sflag:s5], $0x2710  }
0x7d: {  	[sflag:s5] =	ssyncset.done $0x0  }
0x7e: {  	[sflag:s5] =	ssyncadd.s32 $0xFFFFD8F0  }
0x7f: {  	[bflag:$0x0] =	sbarrier.arrive $0xFFFF  }
0x80: {  	[tilespmem:s12], [sflag:$0x1] =	stream.indirect.gather [hbm4b:s10+s11], $0x40, s3, s11, $0xb8;
	[tilespmem:$0x1E620] =	vst v63  }
0x81: {  	_ =	swait.ge [sflag:s5], $0xFA00  }
0x82: {  	[sflag:s5] =	ssyncset.done $0x0  }
0x83: {  	[sflag:s5] =	ssyncadd.s32 $0xFFFF0600  }
0x84: {  	[spmem:s2] =	stream.indirect.scatter.add.f32 [tilespmem:s12], [sflag:$0x1], $0x40, s9, s11, $0xb8;
	[tilespmem:$0x1E620] =	vst v63  }
0x85: {  	_ =	swait.ge [sflag:s5], $0xFA00  }
0x86: {  	[sflag:s5] =	ssyncset.done $0x0  }
0x87: {  	[sflag:s5] =	ssyncadd.s32 $0xFFFF0600  }
0x88: {  	[tilespmem:s12], [sflag:$0x1] =	stream.indirect.gather [hbm4b:s10+s11], $0x40, s11, s11, $0xb8;
	[tilespmem:$0x1E620] =	vst v63  }
0x89: {  	_ =	swait.ge [sflag:s5], $0xFA00  }
0x8a: {  	[sflag:s5] =	ssyncset.done $0x0  }
0x8b: {  	[sflag:s5] =	ssyncadd.s32 $0xFFFF0600  }
0x8c: {  	[spmem:s2] =	stream.indirect.scatter.add.f32 [tilespmem:s12], [sflag:$0x1], $0x40, s13, s11, $0xb8;
	[tilespmem:$0x1E620] =	vst v63  }
0x8d: {  	_ =	swait.ge [sflag:s5], $0xFA00  }
0x8e: {  	[sflag:s5] =	ssyncset.done $0x0  }
0x8f: {  	[sflag:s5] =	ssyncadd.s32 $0xFFFF0600  }
0x90: {  	[tilespmem:s12], [sflag:$0x1] =	stream.indirect.gather [hbm4b:s10+s11], $0x40, s14, s11, $0xb8;
	[tilespmem:$0x1E620] =	vst v63  }
0x91: {  	_ =	swait.ge [sflag:s5], $0xFA00  }
0x92: {  	[sflag:s5] =	ssyncset.done $0x0  }
0x93: {  	[sflag:s5] =	ssyncadd.s32 $0xFFFF0600  }
0x94: {  	[spmem:s2] =	stream.indirect.scatter.add.f32 [tilespmem:s12], [sflag:$0x1], $0x40, s15, s11, $0xb8;
	[tilespmem:$0x1E620] =	vst v63  }
0x95: {  	_ =	swait.ge [sflag:s5], $0xFA00  }
0x96: {  	[sflag:s5] =	ssyncset.done $0x0  }
0x97: {  	[sflag:s5] =	ssyncadd.s32 $0xFFFF0600  }
0x98: {  	[tilespmem:s12], [sflag:$0x1] =	stream.indirect.gather [hbm4b:s10+s11], $0x40, s16, s11, $0xb8;
	[tilespmem:$0x1E620] =	vst v63  }
0x99: {  	_ =	swait.ge [sflag:s5], $0xFA00  }
0x9a: {  	[sflag:s5] =	ssyncset.done $0x0  }
0x9b: {  	[sflag:s5] =	ssyncadd.s32 $0xFFFF0600  }
0x9c: {  	[spmem:s2] =	stream.indirect.scatter.add.f32 [tilespmem:s12], [sflag:$0x1], $0x40, s17, s11, $0xb8;
	[tilespmem:$0x1E620] =	vst v63  }
0x9d: {  	_ =	swait.ge [sflag:s5], $0xFA00  }
0x9e: {  	[sflag:s5] =	ssyncset.done $0x0  }
0x9f: {  	[sflag:s5] =	ssyncadd.s32 $0xFFFF0600  }
0xa0: {  	[tilespmem:s12], [sflag:$0x1] =	stream.indirect.gather [hbm4b:s10+s11], $0x40, s18, s11, $0xb8;
	[tilespmem:$0x1E620] =	vst v63  }
0xa1: {  	_ =	swait.ge [sflag:s5], $0xFA00  }
0xa2: {  	[sflag:s5] =	ssyncset.done $0x0  }
0xa3: {  	[sflag:s5] =	ssyncadd.s32 $0xFFFF0600  }
0xa4: {  	[spmem:s2] =	stream.indirect.scatter.add.f32 [tilespmem:s12], [sflag:$0x1], $0x40, s19, s11, $0xb8;
	[tilespmem:$0x1E620] =	vst v63  }
0xa5: {  	_ =	swait.ge [sflag:s5], $0xFA00  }
0xa6: {  	[sflag:s5] =	ssyncset.done $0x0  }
0xa7: {  	[sflag:s5] =	ssyncadd.s32 $0xFFFF0600  }
0xa8: {  	[tilespmem:s12], [sflag:$0x1] =	stream.indirect.gather [hbm4b:s10+s11], $0x40, s20, s11, $0xb8;
	[tilespmem:$0x1E620] =	vst v63  }
0xa9: {  	_ =	swait.ge [sflag:s5], $0xFA00  }
0xaa: {  	[sflag:s5] =	ssyncset.done $0x0  }
0xab: {  	[sflag:s5] =	ssyncadd.s32 $0xFFFF0600  }
0xac: {  	[spmem:s2] =	stream.indirect.scatter.add.f32 [tilespmem:s12], [sflag:$0x1], $0x40, s21, s11, $0xb8;
	[tilespmem:$0x1E620] =	vst v63  }
0xad: {  	_ =	swait.ge [sflag:s5], $0xFA00  }
0xae: {  	[sflag:s5] =	ssyncset.done $0x0  }
0xaf: {  	[sflag:s5] =	ssyncadd.s32 $0xFFFF0600  }
0xb0: {  	[tilespmem:s12], [sflag:$0x1] =	stream.indirect.gather [hbm4b:s10+s11], $0x40, s22, s11, $0xb8;
	[tilespmem:$0x1E620] =	vst v63  }
0xb1: {  	_ =	swait.ge [sflag:s5], $0xFA00  }
0xb2: {  	[sflag:s5] =	ssyncset.done $0x0  }
0xb3: {  	[sflag:s5] =	ssyncadd.s32 $0xFFFF0600  }
0xb4: {  	[spmem:s2] =	stream.indirect.scatter.add.f32 [tilespmem:s12], [sflag:$0x1], $0x40, s23, s11, $0xb8;
	[tilespmem:$0x1E620] =	vst v63  }
0xb5: {  	_ =	swait.ge [sflag:s5], $0xFA00  }
0xb6: {  	[sflag:s5] =	ssyncset.done $0x0  }
0xb7: {  	[sflag:s5] =	ssyncadd.s32 $0xFFFF0600  }
0xb8: {  	[tilespmem:s12], [sflag:$0x1] =	stream.indirect.gather [hbm4b:s10+s11], $0x40, s24, s11, $0xb8;
	[tilespmem:$0x1E620] =	vst v63  }
0xb9: {  	_ =	swait.ge [sflag:s5], $0xFA00  }
0xba: {  	[sflag:s5] =	ssyncset.done $0x0  }
0xbb: {  	[sflag:s5] =	ssyncadd.s32 $0xFFFF0600  }
0xbc: {  	[spmem:s2] =	stream.indirect.scatter.add.f32 [tilespmem:s12], [sflag:$0x1], $0x40, s25, s11, $0xb8;
	[tilespmem:$0x1E620] =	vst v63  }
0xbd: {  	_ =	swait.ge [sflag:s5], $0xFA00  }
0xbe: {  	[sflag:s5] =	ssyncset.done $0x0  }
0xbf: {  	[sflag:s5] =	ssyncadd.s32 $0xFFFF0600  }
0xc0: {  	[tilespmem:s12], [sflag:$0x1] =	stream.indirect.gather [hbm4b:s10+s11], $0x40, s26, s11, $0xb8;
	[tilespmem:$0x1E620] =	vst v63  }
0xc1: {  	_ =	swait.ge [sflag:s5], $0xFA00  }
0xc2: {  	[sflag:s5] =	ssyncset.done $0x0  }
0xc3: {  	[sflag:s5] =	ssyncadd.s32 $0xFFFF0600  }
0xc4: {  	[spmem:s2] =	stream.indirect.scatter.add.f32 [tilespmem:s12], [sflag:$0x1], $0x40, s28, s11, $0xb8;
	[tilespmem:$0x1E620] =	vst v63  }
0xc5: {  	_ =	swait.ge [sflag:s5], $0xFA00  }
0xc6: {  	[sflag:s5] =	ssyncset.done $0x0  }
0xc7: {  	[sflag:s5] =	ssyncadd.s32 $0xFFFF0600  }
0xc8: {  	[tilespmem:s12], [sflag:$0x1] =	stream.indirect.gather [hbm4b:s10+s11], $0x40, s29, s11, $0xb8;
	[tilespmem:$0x1E620] =	vst v63  }
0xc9: {  	_ =	swait.ge [sflag:s5], $0xFA00  }
0xca: {  	[sflag:s5] =	ssyncset.done $0x0  }
0xcb: {  	[sflag:s5] =	ssyncadd.s32 $0xFFFF0600  }
0xcc: {  	[spmem:s2] =	stream.indirect.scatter.add.f32 [tilespmem:s12], [sflag:$0x1], $0x40, s30, s11, $0xb8;
	[tilespmem:$0x1E620] =	vst v63  }
0xcd: {  	p0 =	sne.s32 s1, $0x1;
	_ =	swait.ge [sflag:s5], $0xFA00  }
.Ltmp1:
0xce: {  	[sflag:s5] =	ssyncset.done $0x0;
	(pc) =	sbr.rel @p0 .LBB2_1-.Ltmp1, $4  }
0xcf: {  	[sflag:s5] =	ssyncadd.s32 $0xFFFF0600  }
0xd0: {  	[bflag:$0x0] =	sbarrier.arrive $0xFFFF  }
0xd1: {  	[hbm:s31], [sflag:s4] =	dma.local [spmem:s6], $0x13C0  }
0xd2: {  	s1 =	sadd.s32 $0xFFFFFFFF, s1;
	_ =	swait.ge [sflag:s5], $0x13C0  }
.LBB2_2:
0xd3: {  	[sflag:s5] =	ssyncset.done $0x0  }
0xd4: {  	[sflag:s5] =	ssyncadd.s32 $0xFFFFEC40  }
0xd5: {  	_ =	sfence.sel $0x180000  }
0xd6: {  	[bflag:$0x0] =	sbarrier.arrive $0xFFFF  }
0xd7: {  	_ =	strace $0x90000047  }
0xd8: {  	s0 =	stileid.u32;
	[bflag:$0x2] =	sbarrier.arrive $0xFFFF  }
0xd9: {  	p0 =	sne.s32 s0, $0x0;
	s0 =	rddreg [dreg:$0x3]  }
0xda: {  	s0 =	sadd.s32 @!p0 $0x100000, s0  }
0xdb: {  	[sflag:s0] =	ssyncadd.tile.s32 @!p0 $0x1;
	_ =	shalt  }
.Lfunc_end2:
_tile_overlayer_lowered:
.L_overlay_start_2:
0xdc: {  	(tag) =	ssettag $0x2  }
0xdd: {  	s0 =	rddreg [dreg:$0x0];
	s2 =	stileid.u32  }
0xde: {  	s1 =	rddreg [dreg:$0x1];
	p0 =	sne.s32 s2, $0x0  }
0xdf: {  	s3 =	rddreg [dreg:$0x2];
	[bflag:$0x3] =	sbarrier.arrive $0xFFFF;
	s2 =	simm.s32 @!p0 $0x1C01  }
0xe0: {  	[timem:s3], [sflag:s2] =	dma.local @!p0 [hbm:s0], s1  }
0xe1: {  	s0 =	simm.s32 @!p0 $0x1  }
0xe2: {  	_ =	swait.ge @!p0 [sflag:s0], s1  }
0xe3: {  	s1 =	ssub.s32 @!p0 $0x0, s1;
	[sflag:s0] =	ssyncset.done @!p0 $0x0  }
0xe4: {  	[sflag:s0] =	ssyncadd.s32 @!p0 s1  }
0xe5: {  	[bflag:$0x3] =	sbarrier.arrive $0xFFFF  }
0xe6: {  	_ =	shalt  }

</sc_bundles>
